<compile_context>
chip_gen: v7x
topology: tpu7x:2x2x1
jax: 0.10.2.dev20260603
libtpu: 0.0.44.dev20260713+nightly
codegen_flags: <defaults>
</compile_context>

<pallas_src>
import functools

import jax
import jax.numpy as jnp
from jax import lax
from jax.experimental import pallas as pl
from jax.experimental.pallas import tpu as pltpu
from jax.experimental.pallas import tpu_sc as plsc

B, C, H, W = 4, 384, 64, 64
N = 100
RS = 7
HW = H * W
HWB = B * HW
D_AUG = 512
NT = 8
TW = HW // NT
RT = H // NT
NWORK = 32
NPIX_TILE = HWB // NWORK
CHUNK = 64
NCHUNK = NPIX_TILE // CHUNK
CG = C // 16
SH, SW = 8, HW // 8


def _proj_body(fr_ref, ft_ref, wr_ref, wt_ref, or_ref, ot_ref):
    pad = jnp.zeros((TW, D_AUG - C - 2), jnp.float32)
    f_r = jnp.concatenate(
        [fr_ref[0, :, r, :].T for r in range(RT)], axis=0)
    f_t = jnp.concatenate(
        [ft_ref[0, :, r, :].T for r in range(RT)], axis=0)
    lg_r = jnp.dot(f_r, wr_ref[...].T, preferred_element_type=jnp.float32)
    lg_t = jnp.dot(f_t, wt_ref[...].T, preferred_element_type=jnp.float32)
    or_ref[0] = jnp.concatenate([f_r, lg_r, pad], axis=1)
    ot_ref[0] = jnp.concatenate([f_t, lg_t, pad], axis=1)


def _project(feat_rgb, feat_tir, w_r, w_t):
    out_shape = [
        jax.ShapeDtypeStruct((B, HW, D_AUG), jnp.float32),
        jax.ShapeDtypeStruct((B, HW, D_AUG), jnp.float32),
    ]
    aug_r, aug_t = pl.pallas_call(
        _proj_body,
        grid=(B, NT),
        in_specs=[
            pl.BlockSpec((1, C, RT, W), lambda b, t: (b, 0, t, 0)),
            pl.BlockSpec((1, C, RT, W), lambda b, t: (b, 0, t, 0)),
            pl.BlockSpec((2, C), lambda b, t: (0, 0)),
            pl.BlockSpec((2, C), lambda b, t: (0, 0)),
        ],
        out_specs=[
            pl.BlockSpec((1, TW, D_AUG), lambda b, t: (b, t, 0)),
            pl.BlockSpec((1, TW, D_AUG), lambda b, t: (b, t, 0)),
        ],
        out_shape=out_shape,
    )(feat_rgb, feat_tir, w_r, w_t)
    return aug_r.reshape(HWB, D_AUG), aug_t.reshape(HWB, D_AUG)


def _idx_body(ar_ref, at_ref, ir_ref, it_ref, mint_ref,
              iyr_ref, ixr_ref, iyt_ref, ixt_ref, cov_ref):
    b = pl.program_id(0)
    i0 = lax.broadcasted_iota(jnp.int32, (SH, SW), 0)
    i1 = lax.broadcasted_iota(jnp.int32, (SH, SW), 1)
    p = i0 * SW + i1
    row = p >> 6
    col = p & (W - 1)
    iyr_ref[...] = row
    ixr_ref[...] = col
    iyt_ref[...] = row
    ixt_ref[...] = col
    cov_ref[...] = jnp.zeros((SH, SW), jnp.int32)

    def body(r, _):
        axr = ar_ref[0, r, 0]
        ayr = ar_ref[0, r, 1]
        axt = at_ref[0, r, 0]
        ayt = at_ref[0, r, 1]
        y0 = jnp.clip(ayr - 4, 0, H - RS)
        x0 = jnp.clip(axr - 4, 0, W - RS)
        cover = (row >= y0) & (row < y0 + RS) & (col >= x0) & (col < x0 + RS)
        iyr_ref[...] = jnp.where(cover, ayr - 3 + (row - y0), iyr_ref[...])
        ixr_ref[...] = jnp.where(cover, axr - 3 + (col - x0), ixr_ref[...])
        iyt_ref[...] = jnp.where(cover, ayt - 3 + (row - y0), iyt_ref[...])
        ixt_ref[...] = jnp.where(cover, axt - 3 + (col - x0), ixt_ref[...])
        cov_ref[...] = jnp.where(cover, 1, cov_ref[...])
        return 0

    lax.fori_loop(0, N, body, 0)
    iyr = iyr_ref[...]
    ixr = ixr_ref[...]
    iyt = iyt_ref[...]
    ixt = ixt_ref[...]
    sel = (cov_ref[...] > 0).astype(jnp.int32)
    mr = ((iyr >= -1) & (ixr >= -1)).astype(jnp.int32)
    mt = ((iyt >= -1) & (ixt >= -1)).astype(jnp.int32)
    base = b * HW
    ir_ref[0] = base + jnp.maximum(iyr, 0) * W + jnp.maximum(ixr, 0)
    it_ref[0] = base + jnp.maximum(iyt, 0) * W + jnp.maximum(ixt, 0)
    mint_ref[0] = mr | (mt << 1) | (sel << 2)


def _indices(anc_rgb, anc_tir):
    out_shape = [
        jax.ShapeDtypeStruct((B, SH, SW), jnp.int32),
        jax.ShapeDtypeStruct((B, SH, SW), jnp.int32),
        jax.ShapeDtypeStruct((B, SH, SW), jnp.int32),
    ]
    outs = pl.pallas_call(
        _idx_body,
        grid=(B,),
        in_specs=[
            pl.BlockSpec((1, N, 2), lambda b: (b, 0, 0),
                         memory_space=pltpu.SMEM),
            pl.BlockSpec((1, N, 2), lambda b: (b, 0, 0),
                         memory_space=pltpu.SMEM),
        ],
        out_specs=[pl.BlockSpec((1, SH, SW), lambda b: (b, 0, 0))] * 3,
        out_shape=out_shape,
        scratch_shapes=[pltpu.VMEM((SH, SW), jnp.int32)] * 5,
    )(anc_rgb, anc_tir)
    return tuple(o.reshape(HWB) for o in outs)


def _sc_body(aug_r, aug_t, idx_r, idx_t, mint, bias2, out_hbm,
             idxr_v, idxt_v, mint_v, bias_v, rows_r, rows_t,
             out_v, sem_r, sem_t):
    wid = lax.axis_index("s") * 2 + lax.axis_index("c")
    tbase = wid * NPIX_TILE
    pltpu.sync_copy(bias2, bias_v)

    def chunk_body(ci, _):
        base = tbase + ci * CHUNK
        pltpu.sync_copy(idx_r.at[pl.ds(base, CHUNK)], idxr_v)
        pltpu.sync_copy(idx_t.at[pl.ds(base, CHUNK)], idxt_v)
        pltpu.sync_copy(mint.at[pl.ds(base, CHUNK)], mint_v)
        cp_r = pltpu.async_copy(aug_r.at[idxr_v], rows_r, sem_r)
        cp_t = pltpu.async_copy(aug_t.at[idxt_v], rows_t, sem_t)
        cp_r.wait()
        cp_t.wait()

        def pix_body(p, _):
            lg_r = rows_r[p, pl.ds(C, 16)]
            lg_t = rows_t[p, pl.ds(C, 16)]
            m = mint_v[pl.ds(p, 1)][0]
            bv = bias_v[...]
            mr = (m & 1).astype(jnp.float32)
            mt = ((m >> 1) & 1).astype(jnp.float32)
            s = (m >> 2) & 1
            d_roi = mr * lg_r[0] + mt * lg_t[0]
            d_glb = lg_r[1] + lg_t[1]
            bd = jnp.where(s == 1, bv[0], bv[1])
            d = jnp.where(s == 1, d_roi, d_glb) + bd
            dv = lax.broadcast(d, (16,))
            alpha = 1.0 / (1.0 + jnp.exp(-dv))
            wr = lax.broadcast(mr, (16,)) * alpha
            wt = lax.broadcast(mt, (16,)) * (1.0 - alpha)
            for cg in range(CG):
                vr = rows_r[p, pl.ds(cg * 16, 16)]
                vt = rows_t[p, pl.ds(cg * 16, 16)]
                out_v[p, pl.ds(cg * 16, 16)] = wr * vr + wt * vt
            return 0

        lax.fori_loop(0, CHUNK, pix_body, 0)
        pltpu.sync_copy(out_v, out_hbm.at[pl.ds(base, CHUNK)])
        return 0

    lax.fori_loop(0, NCHUNK, chunk_body, 0)


def _sc_blend(aug_r, aug_t, idx_r, idx_t, mint, bias2):
    mesh = plsc.VectorSubcoreMesh(core_axis_name="c", subcore_axis_name="s")
    run = functools.partial(
        pl.kernel,
        mesh=mesh,
        out_type=jax.ShapeDtypeStruct((HWB, C), jnp.float32),
        scratch_types=[
            pltpu.VMEM((CHUNK,), jnp.int32),
            pltpu.VMEM((CHUNK,), jnp.int32),
            pltpu.VMEM((CHUNK,), jnp.int32),
            pltpu.VMEM((16,), jnp.float32),
            pltpu.VMEM((CHUNK, D_AUG), jnp.float32),
            pltpu.VMEM((CHUNK, D_AUG), jnp.float32),
            pltpu.VMEM((CHUNK, C), jnp.float32),
            pltpu.SemaphoreType.DMA,
            pltpu.SemaphoreType.DMA,
        ],
    )(_sc_body)
    return run(aug_r, aug_t, idx_r, idx_t, mint, bias2)


def _tr_body(x_ref, o_ref):
    for r in range(RT):
        o_ref[0, :, r, :] = x_ref[0, pl.ds(r * W, W), :].T


def _to_nchw(x):
    return pl.pallas_call(
        _tr_body,
        grid=(B, NT),
        in_specs=[pl.BlockSpec((1, TW, C), lambda b, t: (b, t, 0))],
        out_specs=pl.BlockSpec((1, C, RT, W), lambda b, t: (b, 0, t, 0)),
        out_shape=jax.ShapeDtypeStruct((B, C, H, W), jnp.float32),
    )(x.reshape(B, HW, C))


def kernel(feat_rgb, feat_tir, anchors_rgb_with_conf, anchors_tir_with_conf,
           Wg, bg, Wa, ba):
    anc_rgb = anchors_rgb_with_conf[..., :2].astype(jnp.int32)
    anc_tir = anchors_tir_with_conf[..., :2].astype(jnp.int32)
    w_r = jnp.stack([Wa[0, :C] - Wa[1, :C], Wg[0, :C] - Wg[1, :C]], axis=0)
    w_t = jnp.stack([Wa[0, C:] - Wa[1, C:], Wg[0, C:] - Wg[1, C:]], axis=0)
    bias2 = jnp.pad(jnp.stack([ba[0] - ba[1], bg[0] - bg[1]]), (0, 14))

    aug_r, aug_t = _project(feat_rgb, feat_tir, w_r, w_t)
    idx_r, idx_t, mint = _indices(anc_rgb, anc_tir)
    blended = _sc_blend(aug_r, aug_t, idx_r, idx_t, mint, bias2)
    return _to_nchw(blended)

# --- scband reference (transcript-rebuilt; emitter-appended) ---
"""Pipeline reference for scband-aagf-704374636718 (READ-ONLY COPY).

The authoritative reference and input builder live on the scoring server;
editing this copy changes nothing except your own understanding.
"""

import jax, jax.numpy as jnp
import numpy as np

B, C, H, W = 4, 384, 64, 64
N = 100
RS = 7

def _conv1x1(x, Wt, b):
    return jnp.einsum('bchw,oc->bohw', x, Wt) + b[None, :, None, None]

def _roi_align(feats, boxes, bidx):
    Hh, Ww = feats.shape[2], feats.shape[3]
    x0, y0, x1, y1 = boxes[:, 0], boxes[:, 1], boxes[:, 2], boxes[:, 3]
    rw = jnp.maximum(x1 - x0, 1.0)
    rh = jnp.maximum(y1 - y0, 1.0)
    bw = rw / RS
    bh = rh / RS
    ps = jnp.arange(RS, dtype=jnp.float32) + 0.5
    ys = y0[:, None] + ps[None, :] * bh[:, None]
    xs = x0[:, None] + ps[None, :] * bw[:, None]
    def per_roi(img, yv, xv):
        yy = jnp.repeat(yv, RS)
        xx = jnp.tile(xv, RS)
        def pt(y, x):
            valid = jnp.logical_not((y < -1.0) | (y > Hh) | (x < -1.0) | (x > Ww))
            y = jnp.maximum(y, 0.0)
            x = jnp.maximum(x, 0.0)
            yl = y.astype(jnp.int32)
            xl = x.astype(jnp.int32)
            y = jnp.where(yl >= Hh - 1, jnp.float32(Hh - 1), y)
            x = jnp.where(xl >= Ww - 1, jnp.float32(Ww - 1), x)
            yl = jnp.minimum(yl, Hh - 1)
            xl = jnp.minimum(xl, Ww - 1)
            yh = jnp.minimum(yl + 1, Hh - 1)
            xh = jnp.minimum(xl + 1, Ww - 1)
            ly = y - yl
            lx = x - xl
            hy = 1.0 - ly
            hx = 1.0 - lx
            v = hy * hx * img[:, yl, xl] + hy * lx * img[:, yl, xh] + ly * hx * img[:, yh, xl] + ly * lx * img[:, yh, xh]
            return jnp.where(valid, v, 0.0)
        vals = jax.vmap(pt)(yy, xx)
        return vals.T.reshape(-1, RS, RS)
    return jax.vmap(per_roi)(feats[bidx], ys, xs)

def _paste(base, rois, anchors_xy):
    half = RS / 2.0
    x0 = jnp.clip(jnp.trunc(anchors_xy[..., 0] - half).astype(jnp.int32), 0, W - RS).reshape(-1)
    y0 = jnp.clip(jnp.trunc(anchors_xy[..., 1] - half).astype(jnp.int32), 0, H - RS).reshape(-1)
    bidx = jnp.repeat(jnp.arange(base.shape[0], dtype=jnp.int32), anchors_xy.shape[1])
    rois = jax.lax.stop_gradient(rois)
    def step(fm, inp):
        roi, b, yy, xx = inp
        return jax.lax.dynamic_update_slice(fm, roi[None], (b, jnp.int32(0), yy, xx)), None
    fm, _ = jax.lax.scan(step, base, (rois, bidx, y0, x0))
    return fm

def _forward(feat_rgb, feat_tir, a_rgb, a_tir, Wg, bg, Wa, ba):
    a_rgb = a_rgb.astype(jnp.float32)
    a_tir = a_tir.astype(jnp.float32)
    anc_rgb = a_rgb[..., :2]
    anc_tir = a_tir[..., :2]
    cat = jnp.concatenate([feat_rgb, feat_tir], axis=1)
    attg = jax.nn.softmax(_conv1x1(cat, Wg, bg), axis=1)
    fused_global = feat_rgb * attg[:, 0:1] + feat_tir * attg[:, 1:2]
    half = RS / 2.0
    def boxes_of(anc):
        return jnp.stack([anc[..., 0] - half, anc[..., 1] - half, anc[..., 0] + half, anc[..., 1] + half], axis=-1).reshape(-1, 4)
    bidx = jnp.repeat(jnp.arange(feat_rgb.shape[0]), anc_rgb.shape[1])
    rgb_rois = _roi_align(feat_rgb, boxes_of(anc_rgb), bidx)
    tir_rois = _roi_align(feat_tir, boxes_of(anc_tir), bidx)
    catr = jnp.concatenate([rgb_rois, tir_rois], axis=1)
    atta = jax.nn.softmax(jnp.einsum('rchw,oc->rohw', catr, Wa) + ba[None, :, None, None], axis=1)
    fused_rois = rgb_rois * atta[:, 0:1] + tir_rois * atta[:, 1:2]
    return _paste(fused_global, fused_rois, anc_rgb)

def setup_inputs(seed: int = 0):
    key = jax.random.key(seed)
    k1, k2, k3, k4, k5, k6 = jax.random.split(key, 6)
    return {
        "feat_rgb": jax.random.normal(k1, (B, C, H, W), jnp.float32),
        "feat_tir": jax.random.normal(k2, (B, C, H, W), jnp.float32),
        "anchors_rgb_with_conf": jax.random.randint(k3, (B, N, 3), 0, 60),
        "anchors_tir_with_conf": jax.random.randint(k4, (B, N, 3), 0, 60),
        "Wg": jax.random.normal(k5, (2, 2 * C), jnp.float32) * 0.02,
        "bg": jnp.zeros((2,), jnp.float32),
        "Wa": jax.random.normal(k6, (2, 2 * C), jnp.float32) * 0.02,
        "ba": jnp.zeros((2,), jnp.float32),
    }

def reference(feat_rgb, feat_tir, anchors_rgb_with_conf, anchors_tir_with_conf, Wg, bg, Wa, ba):
    return _forward(feat_rgb, feat_tir, anchors_rgb_with_conf, anchors_tir_with_conf, Wg, bg, Wa, ba)

if __name__ == "__main__":
    import jax
    _d = setup_inputs()
    print(jax.jit(kernel)(*tuple(_d.values())))

</pallas_src>

<mosaic_0001>
#map = affine_map<(d0, d1) -> (0, 0)>
#map1 = affine_map<(d0, d1) -> (0)>
module attributes {stable_mosaic.version = 14 : i64} {
  func.func @_sc_body(%arg0: i32, %arg1: i32, %arg2: memref<16384x512xf32, #tpu.memory_space<hbm>>, %arg3: memref<16384x512xf32, #tpu.memory_space<hbm>>, %arg4: memref<16384xi32, #tpu.memory_space<hbm>>, %arg5: memref<16384xi32, #tpu.memory_space<hbm>>, %arg6: memref<16384xi32, #tpu.memory_space<hbm>>, %arg7: memref<16xf32, #tpu.memory_space<hbm>>, %arg8: memref<16384x384xf32, #tpu.memory_space<hbm>>, %arg9: memref<64xi32, #tpu.memory_space<vmem>>, %arg10: memref<64xi32, #tpu.memory_space<vmem>>, %arg11: memref<64xi32, #tpu.memory_space<vmem>>, %arg12: memref<16xf32, #tpu.memory_space<vmem>>, %arg13: memref<64x512xf32, #tpu.memory_space<vmem>>, %arg14: memref<64x512xf32, #tpu.memory_space<vmem>>, %arg15: memref<64x384xf32, #tpu.memory_space<vmem>>, %arg16: memref<!tpu.dma_semaphore, #tpu.memory_space<semaphore_mem>>, %arg17: memref<!tpu.dma_semaphore, #tpu.memory_space<semaphore_mem>>) attributes {dimension_semantics = [#tpu.dimension_semantics<core_parallel>, #tpu.dimension_semantics<subcore_parallel>], iteration_bounds = array<i64: 2, 16>, scalar_prefetch = 0 : i64, scratch_operands = 9 : i64, tpu.core_type = #tpu.core_type<sc_vector_subcore>, window_params = [{transform_indices = #map}, {transform_indices = #map}, {transform_indices = #map1}, {transform_indices = #map1}, {transform_indices = #map1}, {transform_indices = #map1}, {transform_indices = #map}]} {
    %mul3A = arith.constant 2 : i32
    %mul3A_0 = arith.muli %arg1, %mul3A : i32
    %add3A = arith.addi %mul3A_0, %arg0 : i32
    %mul3A_1 = arith.constant 512 : i32
    %mul3A_2 = arith.muli %add3A, %mul3A_1 : i32
    "tpu.region"() ({
      %run_scoped3A = tpu.sem_alloc : memref<!tpu.dma_semaphore, #tpu.memory_space<semaphore_mem>>
      tpu.enqueue_dma source(%arg7 : memref<16xf32, #tpu.memory_space<hbm>>) target(%arg12 : memref<16xf32, #tpu.memory_space<vmem>>) target_semaphore(%run_scoped3A : memref<!tpu.dma_semaphore, #tpu.memory_space<semaphore_mem>>)
      tpu.wait_dma2 semaphore(%run_scoped3A : memref<!tpu.dma_semaphore, #tpu.memory_space<semaphore_mem>>) src(%arg7 : memref<16xf32, #tpu.memory_space<hbm>>) dst(%arg12 : memref<16xf32, #tpu.memory_space<vmem>>)
      tpu.yield
    }) : () -> ()
    %scan3A = arith.constant 0 : i32
    %scan3A_3 = arith.constant 0 : i32
    %scan3A_4 = arith.constant 8 : i32
    %scan3A_5 = arith.addi %scan3A_3, %scan3A_4 : i32
    %scan3A_6 = arith.constant 1 : i32
    %scan3A_7 = scf.for %scan3A_9 = %scan3A_3 to %scan3A_5 step %scan3A_6 iter_args(%scan3A_10 = %scan3A) -> (i32)  : i32 {
      %mul3A_11 = arith.constant 64 : i32
      %mul3A_12 = arith.muli %scan3A_9, %mul3A_11 : i32
      %add3A_13 = arith.addi %mul3A_2, %mul3A_12 : i32
      "tpu.region"() ({
        %run_scoped3A = tpu.sem_alloc : memref<!tpu.dma_semaphore, #tpu.memory_space<semaphore_mem>>
        %dma_start3A_32 = tpu.memref_slice %arg4[%add3A_13] : memref<16384xi32, #tpu.memory_space<hbm>> -> memref<64xi32, #tpu.memory_space<hbm>>
        %dma_start3A_33 = tpu.memref_slice %arg4[%add3A_13] : memref<16384xi32, #tpu.memory_space<hbm>> -> memref<64xi32, #tpu.memory_space<hbm>>
        tpu.enqueue_dma source(%dma_start3A_33 : memref<64xi32, #tpu.memory_space<hbm>>) target(%arg9 : memref<64xi32, #tpu.memory_space<vmem>>) target_semaphore(%run_scoped3A : memref<!tpu.dma_semaphore, #tpu.memory_space<semaphore_mem>>)
        %dma_wait3A_34 = tpu.memref_slice %arg4[%add3A_13] : memref<16384xi32, #tpu.memory_space<hbm>> -> memref<64xi32, #tpu.memory_space<hbm>>
        %dma_wait3A_35 = tpu.memref_slice %arg4[%add3A_13] : memref<16384xi32, #tpu.memory_space<hbm>> -> memref<64xi32, #tpu.memory_space<hbm>>
        tpu.wait_dma2 semaphore(%run_scoped3A : memref<!tpu.dma_semaphore, #tpu.memory_space<semaphore_mem>>) src(%dma_wait3A_35 : memref<64xi32, #tpu.memory_space<hbm>>) dst(%arg9 : memref<64xi32, #tpu.memory_space<vmem>>)
        tpu.yield
      }) : () -> ()
      "tpu.region"() ({
        %run_scoped3A = tpu.sem_alloc : memref<!tpu.dma_semaphore, #tpu.memory_space<semaphore_mem>>
        %dma_start3A_32 = tpu.memref_slice %arg5[%add3A_13] : memref<16384xi32, #tpu.memory_space<hbm>> -> memref<64xi32, #tpu.memory_space<hbm>>
        %dma_start3A_33 = tpu.memref_slice %arg5[%add3A_13] : memref<16384xi32, #tpu.memory_space<hbm>> -> memref<64xi32, #tpu.memory_space<hbm>>
        tpu.enqueue_dma source(%dma_start3A_33 : memref<64xi32, #tpu.memory_space<hbm>>) target(%arg10 : memref<64xi32, #tpu.memory_space<vmem>>) target_semaphore(%run_scoped3A : memref<!tpu.dma_semaphore, #tpu.memory_space<semaphore_mem>>)
        %dma_wait3A_34 = tpu.memref_slice %arg5[%add3A_13] : memref<16384xi32, #tpu.memory_space<hbm>> -> memref<64xi32, #tpu.memory_space<hbm>>
        %dma_wait3A_35 = tpu.memref_slice %arg5[%add3A_13] : memref<16384xi32, #tpu.memory_space<hbm>> -> memref<64xi32, #tpu.memory_space<hbm>>
        tpu.wait_dma2 semaphore(%run_scoped3A : memref<!tpu.dma_semaphore, #tpu.memory_space<semaphore_mem>>) src(%dma_wait3A_35 : memref<64xi32, #tpu.memory_space<hbm>>) dst(%arg10 : memref<64xi32, #tpu.memory_space<vmem>>)
        tpu.yield
      }) : () -> ()
      "tpu.region"() ({
        %run_scoped3A = tpu.sem_alloc : memref<!tpu.dma_semaphore, #tpu.memory_space<semaphore_mem>>
        %dma_start3A_32 = tpu.memref_slice %arg6[%add3A_13] : memref<16384xi32, #tpu.memory_space<hbm>> -> memref<64xi32, #tpu.memory_space<hbm>>
        %dma_start3A_33 = tpu.memref_slice %arg6[%add3A_13] : memref<16384xi32, #tpu.memory_space<hbm>> -> memref<64xi32, #tpu.memory_space<hbm>>
        tpu.enqueue_dma source(%dma_start3A_33 : memref<64xi32, #tpu.memory_space<hbm>>) target(%arg11 : memref<64xi32, #tpu.memory_space<vmem>>) target_semaphore(%run_scoped3A : memref<!tpu.dma_semaphore, #tpu.memory_space<semaphore_mem>>)
        %dma_wait3A_34 = tpu.memref_slice %arg6[%add3A_13] : memref<16384xi32, #tpu.memory_space<hbm>> -> memref<64xi32, #tpu.memory_space<hbm>>
        %dma_wait3A_35 = tpu.memref_slice %arg6[%add3A_13] : memref<16384xi32, #tpu.memory_space<hbm>> -> memref<64xi32, #tpu.memory_space<hbm>>
        tpu.wait_dma2 semaphore(%run_scoped3A : memref<!tpu.dma_semaphore, #tpu.memory_space<semaphore_mem>>) src(%dma_wait3A_35 : memref<64xi32, #tpu.memory_space<hbm>>) dst(%arg11 : memref<64xi32, #tpu.memory_space<vmem>>)
        tpu.yield
      }) : () -> ()
      %dma_start3A = arith.constant 0 : i32
      %dma_start3A_14 = arith.constant 0 : i32
      %dma_start3A_15 = tpu.memref_slice %arg2[%dma_start3A, %dma_start3A_14] : memref<16384x512xf32, #tpu.memory_space<hbm>> -> memref<16384x512xf32, #tpu.memory_space<hbm>>
      tpu.enqueue_indirect_dma source(%dma_start3A_15 : memref<16384x512xf32, #tpu.memory_space<hbm>>) target(%arg13 : memref<64x512xf32, #tpu.memory_space<vmem>>) offsets(%arg9 : memref<64xi32, #tpu.memory_space<vmem>>) semaphore(%arg16 : memref<!tpu.dma_semaphore, #tpu.memory_space<semaphore_mem>>)
      %dma_start3A_16 = arith.constant 0 : i32
      %dma_start3A_17 = arith.constant 0 : i32
      %dma_start3A_18 = tpu.memref_slice %arg3[%dma_start3A_16, %dma_start3A_17] : memref<16384x512xf32, #tpu.memory_space<hbm>> -> memref<16384x512xf32, #tpu.memory_space<hbm>>
      tpu.enqueue_indirect_dma source(%dma_start3A_18 : memref<16384x512xf32, #tpu.memory_space<hbm>>) target(%arg14 : memref<64x512xf32, #tpu.memory_space<vmem>>) offsets(%arg10 : memref<64xi32, #tpu.memory_space<vmem>>) semaphore(%arg17 : memref<!tpu.dma_semaphore, #tpu.memory_space<semaphore_mem>>)
      %dma_wait3A = arith.constant 0 : i32
      %dma_wait3A_19 = arith.constant 0 : i32
      %dma_wait3A_20 = tpu.memref_slice %arg2[%dma_wait3A, %dma_wait3A_19] : memref<16384x512xf32, #tpu.memory_space<hbm>> -> memref<16384x512xf32, #tpu.memory_space<hbm>>
      tpu.wait_indirect_dma semaphore(%arg16 : memref<!tpu.dma_semaphore, #tpu.memory_space<semaphore_mem>>) src(%dma_wait3A_20 : memref<16384x512xf32, #tpu.memory_space<hbm>>) dst(%arg13 : memref<64x512xf32, #tpu.memory_space<vmem>>)
      %dma_wait3A_21 = arith.constant 0 : i32
      %dma_wait3A_22 = arith.constant 0 : i32
      %dma_wait3A_23 = tpu.memref_slice %arg3[%dma_wait3A_21, %dma_wait3A_22] : memref<16384x512xf32, #tpu.memory_space<hbm>> -> memref<16384x512xf32, #tpu.memory_space<hbm>>
      tpu.wait_indirect_dma semaphore(%arg17 : memref<!tpu.dma_semaphore, #tpu.memory_space<semaphore_mem>>) src(%dma_wait3A_23 : memref<16384x512xf32, #tpu.memory_space<hbm>>) dst(%arg14 : memref<64x512xf32, #tpu.memory_space<vmem>>)
      %scan3A_24 = arith.constant 0 : i32
      %scan3A_25 = arith.constant 0 : i32
      %scan3A_26 = arith.constant 64 : i32
      %scan3A_27 = arith.addi %scan3A_25, %scan3A_26 : i32
      %scan3A_28 = arith.constant 1 : i32
      %scan3A_29 = scf.for %scan3A_32 = %scan3A_25 to %scan3A_27 step %scan3A_28 iter_args(%scan3A_33 = %scan3A_24) -> (i32)  : i32 {
        %get3A = arith.index_cast %scan3A_32 : i32 to index
        %get3A_34 = arith.constant 384 : index
        %get3A_35 = tpu.vector_load %arg13[%get3A, %get3A_34] {strides = array<i32>} : memref<64x512xf32, #tpu.memory_space<vmem>>, vector<1x16xf32>,
        %get3A_36 = vector.shape_cast %get3A_35 : vector<1x16xf32> to vector<16xf32>
        %get3A_37 = arith.index_cast %scan3A_32 : i32 to index
        %get3A_38 = arith.constant 384 : index
        %get3A_39 = tpu.vector_load %arg14[%get3A_37, %get3A_38] {strides = array<i32>} : memref<64x512xf32, #tpu.memory_space<vmem>>, vector<1x16xf32>,
        %get3A_40 = vector.shape_cast %get3A_39 : vector<1x16xf32> to vector<16xf32>
        %get3A_41 = arith.index_cast %scan3A_32 : i32 to index
        %get3A_42 = tpu.vector_load %arg11[%get3A_41] {strides = array<i32>} : memref<64xi32, #tpu.memory_space<vmem>>, vector<1xi32>,
        %get3A_43 = vector.shape_cast %get3A_42 : vector<1xi32> to vector<1xi32>
        %squeeze3A = vector.extract %get3A_43[0] : i32 from vector<1xi32>
        %get3A_44 = arith.constant 0 : index
        %get3A_45 = tpu.vector_load %arg12[%get3A_44] {strides = array<i32>} : memref<16xf32, #tpu.memory_space<vmem>>, vector<16xf32>,
        %get3A_46 = vector.shape_cast %get3A_45 : vector<16xf32> to vector<16xf32>
        %and3A = arith.constant 1 : i32
        %and3A_47 = arith.andi %squeeze3A, %and3A : i32
        %convert_element_type3A = arith.sitofp %and3A_47 : i32 to f32
        %shift_right_arithmetic3A = arith.constant 1 : i32
        %shift_right_arithmetic3A_48 = arith.shrsi %squeeze3A, %shift_right_arithmetic3A : i32
        %and3A_49 = arith.constant 1 : i32
        %and3A_50 = arith.andi %shift_right_arithmetic3A_48, %and3A_49 : i32
        %convert_element_type3A_51 = arith.sitofp %and3A_50 : i32 to f32
        %shift_right_arithmetic3A_52 = arith.constant 2 : i32
        %shift_right_arithmetic3A_53 = arith.shrsi %squeeze3A, %shift_right_arithmetic3A_52 : i32
        %and3A_54 = arith.constant 1 : i32
        %and3A_55 = arith.andi %shift_right_arithmetic3A_53, %and3A_54 : i32
        %slice3A = vector.extract_strided_slice %get3A_36 {offsets = [0], sizes = [1], strides = [1]} : vector<16xf32> to vector<1xf32>
        %squeeze3A_56 = vector.extract %slice3A[0] : f32 from vector<1xf32>
        %mul3A_57 = arith.mulf %convert_element_type3A, %squeeze3A_56 : f32
        %slice3A_58 = vector.extract_strided_slice %get3A_40 {offsets = [0], sizes = [1], strides = [1]} : vector<16xf32> to vector<1xf32>
        %squeeze3A_59 = vector.extract %slice3A_58[0] : f32 from vector<1xf32>
        %mul3A_60 = arith.mulf %convert_element_type3A_51, %squeeze3A_59 : f32
        %add3A_61 = arith.addf %mul3A_57, %mul3A_60 : f32
        %slice3A_62 = vector.extract_strided_slice %get3A_36 {offsets = [1], sizes = [1], strides = [1]} : vector<16xf32> to vector<1xf32>
        %squeeze3A_63 = vector.extract %slice3A_62[0] : f32 from vector<1xf32>
        %slice3A_64 = vector.extract_strided_slice %get3A_40 {offsets = [1], sizes = [1], strides = [1]} : vector<16xf32> to vector<1xf32>
        %squeeze3A_65 = vector.extract %slice3A_64[0] : f32 from vector<1xf32>
        %add3A_66 = arith.addf %squeeze3A_63, %squeeze3A_65 : f32
        %eq3A = arith.constant 1 : i32
        %eq3A_67 = arith.cmpi eq, %and3A_55, %eq3A : i32
        %slice3A_68 = vector.extract_strided_slice %get3A_46 {offsets = [0], sizes = [1], strides = [1]} : vector<16xf32> to vector<1xf32>
        %squeeze3A_69 = vector.extract %slice3A_68[0] : f32 from vector<1xf32>
        %slice3A_70 = vector.extract_strided_slice %get3A_46 {offsets = [1], sizes = [1], strides = [1]} : vector<16xf32> to vector<1xf32>
        %squeeze3A_71 = vector.extract %slice3A_70[0] : f32 from vector<1xf32>
        %select_n3A = arith.select %eq3A_67, %squeeze3A_69, %squeeze3A_71 : f32
        %eq3A_72 = arith.constant 1 : i32
        %eq3A_73 = arith.cmpi eq, %and3A_55, %eq3A_72 : i32
        %select_n3A_74 = arith.select %eq3A_73, %add3A_61, %add3A_66 : f32
        %add3A_75 = arith.addf %select_n3A_74, %select_n3A : f32
        %broadcast_in_dim3A = vector.broadcast %add3A_75 : f32 to vector<16xf32>
        %neg3A = arith.constant 0.000000e+00 : f32
        %neg3A_76 = vector.broadcast %neg3A : f32 to vector<16xf32>
        %neg3A_77 = arith.subf %neg3A_76, %broadcast_in_dim3A : vector<16xf32>
        %exp3A = math.exp %neg3A_77 : vector<16xf32>
        %add3A_78 = arith.constant 1.000000e+00 : f32
        %add3A_79 = vector.broadcast %add3A_78 : f32 to vector<16xf32>
        %add3A_80 = arith.addf %add3A_79, %exp3A : vector<16xf32>
        %div3A = arith.constant 1.000000e+00 : f32
        %div3A_81 = vector.broadcast %div3A : f32 to vector<16xf32>
        %div3A_82 = arith.divf %div3A_81, %add3A_80 : vector<16xf32>
        %broadcast_in_dim3A_83 = vector.broadcast %convert_element_type3A : f32 to vector<16xf32>
        %mul3A_84 = arith.mulf %broadcast_in_dim3A_83, %div3A_82 : vector<16xf32>
        %broadcast_in_dim3A_85 = vector.broadcast %convert_element_type3A_51 : f32 to vector<16xf32>
        %sub3A = arith.constant 1.000000e+00 : f32
        %sub3A_86 = vector.broadcast %sub3A : f32 to vector<16xf32>
        %sub3A_87 = arith.subf %sub3A_86, %div3A_82 : vector<16xf32>
        %mul3A_88 = arith.mulf %broadcast_in_dim3A_85, %sub3A_87 : vector<16xf32>
        %get3A_89 = arith.index_cast %scan3A_32 : i32 to index
        %get3A_90 = arith.constant 0 : index
        %get3A_91 = tpu.vector_load %arg13[%get3A_89, %get3A_90] {strides = array<i32>} : memref<64x512xf32, #tpu.memory_space<vmem>>, vector<1x16xf32>,
        %get3A_92 = vector.shape_cast %get3A_91 : vector<1x16xf32> to vector<16xf32>
        %get3A_93 = arith.index_cast %scan3A_32 : i32 to index
        %get3A_94 = arith.constant 0 : index
        %get3A_95 = tpu.vector_load %arg14[%get3A_93, %get3A_94] {strides = array<i32>} : memref<64x512xf32, #tpu.memory_space<vmem>>, vector<1x16xf32>,
        %get3A_96 = vector.shape_cast %get3A_95 : vector<1x16xf32> to vector<16xf32>
        %mul3A_97 = arith.mulf %mul3A_84, %get3A_92 : vector<16xf32>
        %mul3A_98 = arith.mulf %mul3A_88, %get3A_96 : vector<16xf32>
        %add3A_99 = arith.addf %mul3A_97, %mul3A_98 : vector<16xf32>
        %swap3A = arith.index_cast %scan3A_32 : i32 to index
        %swap3A_100 = arith.constant 0 : index
        %swap3A_101 = tpu.vector_load %arg15[%swap3A, %swap3A_100] {strides = array<i32>} : memref<64x384xf32, #tpu.memory_space<vmem>>, vector<1x16xf32>,
        %swap3A_102 = vector.shape_cast %swap3A_101 : vector<1x16xf32> to vector<16xf32>
        %swap3A_103 = vector.shape_cast %add3A_99 : vector<16xf32> to vector<1x16xf32>
        tpu.vector_store %arg15[%swap3A, %swap3A_100], %swap3A_103 {strides = array<i32>} : memref<64x384xf32, #tpu.memory_space<vmem>>, vector<1x16xf32>,
        %get3A_104 = arith.index_cast %scan3A_32 : i32 to index
        %get3A_105 = arith.constant 16 : index
        %get3A_106 = tpu.vector_load %arg13[%get3A_104, %get3A_105] {strides = array<i32>} : memref<64x512xf32, #tpu.memory_space<vmem>>, vector<1x16xf32>,
        %get3A_107 = vector.shape_cast %get3A_106 : vector<1x16xf32> to vector<16xf32>
        %get3A_108 = arith.index_cast %scan3A_32 : i32 to index
        %get3A_109 = arith.constant 16 : index
        %get3A_110 = tpu.vector_load %arg14[%get3A_108, %get3A_109] {strides = array<i32>} : memref<64x512xf32, #tpu.memory_space<vmem>>, vector<1x16xf32>,
        %get3A_111 = vector.shape_cast %get3A_110 : vector<1x16xf32> to vector<16xf32>
        %mul3A_112 = arith.mulf %mul3A_84, %get3A_107 : vector<16xf32>
        %mul3A_113 = arith.mulf %mul3A_88, %get3A_111 : vector<16xf32>
        %add3A_114 = arith.addf %mul3A_112, %mul3A_113 : vector<16xf32>
        %swap3A_115 = arith.index_cast %scan3A_32 : i32 to index
        %swap3A_116 = arith.constant 16 : index
        %swap3A_117 = tpu.vector_load %arg15[%swap3A_115, %swap3A_116] {strides = array<i32>} : memref<64x384xf32, #tpu.memory_space<vmem>>, vector<1x16xf32>,
        %swap3A_118 = vector.shape_cast %swap3A_117 : vector<1x16xf32> to vector<16xf32>
        %swap3A_119 = vector.shape_cast %add3A_114 : vector<16xf32> to vector<1x16xf32>
        tpu.vector_store %arg15[%swap3A_115, %swap3A_116], %swap3A_119 {strides = array<i32>} : memref<64x384xf32, #tpu.memory_space<vmem>>, vector<1x16xf32>,
        %get3A_120 = arith.index_cast %scan3A_32 : i32 to index
        %get3A_121 = arith.constant 32 : index
        %get3A_122 = tpu.vector_load %arg13[%get3A_120, %get3A_121] {strides = array<i32>} : memref<64x512xf32, #tpu.memory_space<vmem>>, vector<1x16xf32>,
        %get3A_123 = vector.shape_cast %get3A_122 : vector<1x16xf32> to vector<16xf32>
        %get3A_124 = arith.index_cast %scan3A_32 : i32 to index
        %get3A_125 = arith.constant 32 : index
        %get3A_126 = tpu.vector_load %arg14[%get3A_124, %get3A_125] {strides = array<i32>} : memref<64x512xf32, #tpu.memory_space<vmem>>, vector<1x16xf32>,
        %get3A_127 = vector.shape_cast %get3A_126 : vector<1x16xf32> to vector<16xf32>
        %mul3A_128 = arith.mulf %mul3A_84, %get3A_123 : vector<16xf32>
        %mul3A_129 = arith.mulf %mul3A_88, %get3A_127 : vector<16xf32>
        %add3A_130 = arith.addf %mul3A_128, %mul3A_129 : vector<16xf32>
        %swap3A_131 = arith.index_cast %scan3A_32 : i32 to index
        %swap3A_132 = arith.constant 32 : index
        %swap3A_133 = tpu.vector_load %arg15[%swap3A_131, %swap3A_132] {strides = array<i32>} : memref<64x384xf32, #tpu.memory_space<vmem>>, vector<1x16xf32>,
        %swap3A_134 = vector.shape_cast %swap3A_133 : vector<1x16xf32> to vector<16xf32>
        %swap3A_135 = vector.shape_cast %add3A_130 : vector<16xf32> to vector<1x16xf32>
        tpu.vector_store %arg15[%swap3A_131, %swap3A_132], %swap3A_135 {strides = array<i32>} : memref<64x384xf32, #tpu.memory_space<vmem>>, vector<1x16xf32>,
        %get3A_136 = arith.index_cast %scan3A_32 : i32 to index
        %get3A_137 = arith.constant 48 : index
        %get3A_138 = tpu.vector_load %arg13[%get3A_136, %get3A_137] {strides = array<i32>} : memref<64x512xf32, #tpu.memory_space<vmem>>, vector<1x16xf32>,
        %get3A_139 = vector.shape_cast %get3A_138 : vector<1x16xf32> to vector<16xf32>
        %get3A_140 = arith.index_cast %scan3A_32 : i32 to index
        %get3A_141 = arith.constant 48 : index
        %get3A_142 = tpu.vector_load %arg14[%get3A_140, %get3A_141] {strides = array<i32>} : memref<64x512xf32, #tpu.memory_space<vmem>>, vector<1x16xf32>,
        %get3A_143 = vector.shape_cast %get3A_142 : vector<1x16xf32> to vector<16xf32>
        %mul3A_144 = arith.mulf %mul3A_84, %get3A_139 : vector<16xf32>
        %mul3A_145 = arith.mulf %mul3A_88, %get3A_143 : vector<16xf32>
        %add3A_146 = arith.addf %mul3A_144, %mul3A_145 : vector<16xf32>
        %swap3A_147 = arith.index_cast %scan3A_32 : i32 to index
        %swap3A_148 = arith.constant 48 : index
        %swap3A_149 = tpu.vector_load %arg15[%swap3A_147, %swap3A_148] {strides = array<i32>} : memref<64x384xf32, #tpu.memory_space<vmem>>, vector<1x16xf32>,
        %swap3A_150 = vector.shape_cast %swap3A_149 : vector<1x16xf32> to vector<16xf32>
        %swap3A_151 = vector.shape_cast %add3A_146 : vector<16xf32> to vector<1x16xf32>
        tpu.vector_store %arg15[%swap3A_147, %swap3A_148], %swap3A_151 {strides = array<i32>} : memref<64x384xf32, #tpu.memory_space<vmem>>, vector<1x16xf32>,
        %get3A_152 = arith.index_cast %scan3A_32 : i32 to index
        %get3A_153 = arith.constant 64 : index
        %get3A_154 = tpu.vector_load %arg13[%get3A_152, %get3A_153] {strides = array<i32>} : memref<64x512xf32, #tpu.memory_space<vmem>>, vector<1x16xf32>,
        %get3A_155 = vector.shape_cast %get3A_154 : vector<1x16xf32> to vector<16xf32>
        %get3A_156 = arith.index_cast %scan3A_32 : i32 to index
        %get3A_157 = arith.constant 64 : index
        %get3A_158 = tpu.vector_load %arg14[%get3A_156, %get3A_157] {strides = array<i32>} : memref<64x512xf32, #tpu.memory_space<vmem>>, vector<1x16xf32>,
        %get3A_159 = vector.shape_cast %get3A_158 : vector<1x16xf32> to vector<16xf32>
        %mul3A_160 = arith.mulf %mul3A_84, %get3A_155 : vector<16xf32>
        %mul3A_161 = arith.mulf %mul3A_88, %get3A_159 : vector<16xf32>
        %add3A_162 = arith.addf %mul3A_160, %mul3A_161 : vector<16xf32>
        %swap3A_163 = arith.index_cast %scan3A_32 : i32 to index
        %swap3A_164 = arith.constant 64 : index
        %swap3A_165 = tpu.vector_load %arg15[%swap3A_163, %swap3A_164] {strides = array<i32>} : memref<64x384xf32, #tpu.memory_space<vmem>>, vector<1x16xf32>,
        %swap3A_166 = vector.shape_cast %swap3A_165 : vector<1x16xf32> to vector<16xf32>
        %swap3A_167 = vector.shape_cast %add3A_162 : vector<16xf32> to vector<1x16xf32>
        tpu.vector_store %arg15[%swap3A_163, %swap3A_164], %swap3A_167 {strides = array<i32>} : memref<64x384xf32, #tpu.memory_space<vmem>>, vector<1x16xf32>,
        %get3A_168 = arith.index_cast %scan3A_32 : i32 to index
        %get3A_169 = arith.constant 80 : index
        %get3A_170 = tpu.vector_load %arg13[%get3A_168, %get3A_169] {strides = array<i32>} : memref<64x512xf32, #tpu.memory_space<vmem>>, vector<1x16xf32>,
        %get3A_171 = vector.shape_cast %get3A_170 : vector<1x16xf32> to vector<16xf32>
        %get3A_172 = arith.index_cast %scan3A_32 : i32 to index
        %get3A_173 = arith.constant 80 : index
        %get3A_174 = tpu.vector_load %arg14[%get3A_172, %get3A_173] {strides = array<i32>} : memref<64x512xf32, #tpu.memory_space<vmem>>, vector<1x16xf32>,
        %get3A_175 = vector.shape_cast %get3A_174 : vector<1x16xf32> to vector<16xf32>
        %mul3A_176 = arith.mulf %mul3A_84, %get3A_171 : vector<16xf32>
        %mul3A_177 = arith.mulf %mul3A_88, %get3A_175 : vector<16xf32>
        %add3A_178 = arith.addf %mul3A_176, %mul3A_177 : vector<16xf32>
        %swap3A_179 = arith.index_cast %scan3A_32 : i32 to index
        %swap3A_180 = arith.constant 80 : index
        %swap3A_181 = tpu.vector_load %arg15[%swap3A_179, %swap3A_180] {strides = array<i32>} : memref<64x384xf32, #tpu.memory_space<vmem>>, vector<1x16xf32>,
        %swap3A_182 = vector.shape_cast %swap3A_181 : vector<1x16xf32> to vector<16xf32>
        %swap3A_183 = vector.shape_cast %add3A_178 : vector<16xf32> to vector<1x16xf32>
        tpu.vector_store %arg15[%swap3A_179, %swap3A_180], %swap3A_183 {strides = array<i32>} : memref<64x384xf32, #tpu.memory_space<vmem>>, vector<1x16xf32>,
        %get3A_184 = arith.index_cast %scan3A_32 : i32 to index
        %get3A_185 = arith.constant 96 : index
        %get3A_186 = tpu.vector_load %arg13[%get3A_184, %get3A_185] {strides = array<i32>} : memref<64x512xf32, #tpu.memory_space<vmem>>, vector<1x16xf32>,
        %get3A_187 = vector.shape_cast %get3A_186 : vector<1x16xf32> to vector<16xf32>
        %get3A_188 = arith.index_cast %scan3A_32 : i32 to index
        %get3A_189 = arith.constant 96 : index
        %get3A_190 = tpu.vector_load %arg14[%get3A_188, %get3A_189] {strides = array<i32>} : memref<64x512xf32, #tpu.memory_space<vmem>>, vector<1x16xf32>,
        %get3A_191 = vector.shape_cast %get3A_190 : vector<1x16xf32> to vector<16xf32>
        %mul3A_192 = arith.mulf %mul3A_84, %get3A_187 : vector<16xf32>
        %mul3A_193 = arith.mulf %mul3A_88, %get3A_191 : vector<16xf32>
        %add3A_194 = arith.addf %mul3A_192, %mul3A_193 : vector<16xf32>
        %swap3A_195 = arith.index_cast %scan3A_32 : i32 to index
        %swap3A_196 = arith.constant 96 : index
        %swap3A_197 = tpu.vector_load %arg15[%swap3A_195, %swap3A_196] {strides = array<i32>} : memref<64x384xf32, #tpu.memory_space<vmem>>, vector<1x16xf32>,
        %swap3A_198 = vector.shape_cast %swap3A_197 : vector<1x16xf32> to vector<16xf32>
        %swap3A_199 = vector.shape_cast %add3A_194 : vector<16xf32> to vector<1x16xf32>
        tpu.vector_store %arg15[%swap3A_195, %swap3A_196], %swap3A_199 {strides = array<i32>} : memref<64x384xf32, #tpu.memory_space<vmem>>, vector<1x16xf32>,
        %get3A_200 = arith.index_cast %scan3A_32 : i32 to index
        %get3A_201 = arith.constant 112 : index
        %get3A_202 = tpu.vector_load %arg13[%get3A_200, %get3A_201] {strides = array<i32>} : memref<64x512xf32, #tpu.memory_space<vmem>>, vector<1x16xf32>,
        %get3A_203 = vector.shape_cast %get3A_202 : vector<1x16xf32> to vector<16xf32>
        %get3A_204 = arith.index_cast %scan3A_32 : i32 to index
        %get3A_205 = arith.constant 112 : index
        %get3A_206 = tpu.vector_load %arg14[%get3A_204, %get3A_205] {strides = array<i32>} : memref<64x512xf32, #tpu.memory_space<vmem>>, vector<1x16xf32>,
        %get3A_207 = vector.shape_cast %get3A_206 : vector<1x16xf32> to vector<16xf32>
        %mul3A_208 = arith.mulf %mul3A_84, %get3A_203 : vector<16xf32>
        %mul3A_209 = arith.mulf %mul3A_88, %get3A_207 : vector<16xf32>
        %add3A_210 = arith.addf %mul3A_208, %mul3A_209 : vector<16xf32>
        %swap3A_211 = arith.index_cast %scan3A_32 : i32 to index
        %swap3A_212 = arith.constant 112 : index
        %swap3A_213 = tpu.vector_load %arg15[%swap3A_211, %swap3A_212] {strides = array<i32>} : memref<64x384xf32, #tpu.memory_space<vmem>>, vector<1x16xf32>,
        %swap3A_214 = vector.shape_cast %swap3A_213 : vector<1x16xf32> to vector<16xf32>
        %swap3A_215 = vector.shape_cast %add3A_210 : vector<16xf32> to vector<1x16xf32>
        tpu.vector_store %arg15[%swap3A_211, %swap3A_212], %swap3A_215 {strides = array<i32>} : memref<64x384xf32, #tpu.memory_space<vmem>>, vector<1x16xf32>,
        %get3A_216 = arith.index_cast %scan3A_32 : i32 to index
        %get3A_217 = arith.constant 128 : index
        %get3A_218 = tpu.vector_load %arg13[%get3A_216, %get3A_217] {strides = array<i32>} : memref<64x512xf32, #tpu.memory_space<vmem>>, vector<1x16xf32>,
        %get3A_219 = vector.shape_cast %get3A_218 : vector<1x16xf32> to vector<16xf32>
        %get3A_220 = arith.index_cast %scan3A_32 : i32 to index
        %get3A_221 = arith.constant 128 : index
        %get3A_222 = tpu.vector_load %arg14[%get3A_220, %get3A_221] {strides = array<i32>} : memref<64x512xf32, #tpu.memory_space<vmem>>, vector<1x16xf32>,
        %get3A_223 = vector.shape_cast %get3A_222 : vector<1x16xf32> to vector<16xf32>
        %mul3A_224 = arith.mulf %mul3A_84, %get3A_219 : vector<16xf32>
        %mul3A_225 = arith.mulf %mul3A_88, %get3A_223 : vector<16xf32>
        %add3A_226 = arith.addf %mul3A_224, %mul3A_225 : vector<16xf32>
        %swap3A_227 = arith.index_cast %scan3A_32 : i32 to index
        %swap3A_228 = arith.constant 128 : index
        %swap3A_229 = tpu.vector_load %arg15[%swap3A_227, %swap3A_228] {strides = array<i32>} : memref<64x384xf32, #tpu.memory_space<vmem>>, vector<1x16xf32>,
        %swap3A_230 = vector.shape_cast %swap3A_229 : vector<1x16xf32> to vector<16xf32>
        %swap3A_231 = vector.shape_cast %add3A_226 : vector<16xf32> to vector<1x16xf32>
        tpu.vector_store %arg15[%swap3A_227, %swap3A_228], %swap3A_231 {strides = array<i32>} : memref<64x384xf32, #tpu.memory_space<vmem>>, vector<1x16xf32>,
        %get3A_232 = arith.index_cast %scan3A_32 : i32 to index
        %get3A_233 = arith.constant 144 : index
        %get3A_234 = tpu.vector_load %arg13[%get3A_232, %get3A_233] {strides = array<i32>} : memref<64x512xf32, #tpu.memory_space<vmem>>, vector<1x16xf32>,
        %get3A_235 = vector.shape_cast %get3A_234 : vector<1x16xf32> to vector<16xf32>
        %get3A_236 = arith.index_cast %scan3A_32 : i32 to index
        %get3A_237 = arith.constant 144 : index
        %get3A_238 = tpu.vector_load %arg14[%get3A_236, %get3A_237] {strides = array<i32>} : memref<64x512xf32, #tpu.memory_space<vmem>>, vector<1x16xf32>,
        %get3A_239 = vector.shape_cast %get3A_238 : vector<1x16xf32> to vector<16xf32>
        %mul3A_240 = arith.mulf %mul3A_84, %get3A_235 : vector<16xf32>
        %mul3A_241 = arith.mulf %mul3A_88, %get3A_239 : vector<16xf32>
        %add3A_242 = arith.addf %mul3A_240, %mul3A_241 : vector<16xf32>
        %swap3A_243 = arith.index_cast %scan3A_32 : i32 to index
        %swap3A_244 = arith.constant 144 : index
        %swap3A_245 = tpu.vector_load %arg15[%swap3A_243, %swap3A_244] {strides = array<i32>} : memref<64x384xf32, #tpu.memory_space<vmem>>, vector<1x16xf32>,
        %swap3A_246 = vector.shape_cast %swap3A_245 : vector<1x16xf32> to vector<16xf32>
        %swap3A_247 = vector.shape_cast %add3A_242 : vector<16xf32> to vector<1x16xf32>
        tpu.vector_store %arg15[%swap3A_243, %swap3A_244], %swap3A_247 {strides = array<i32>} : memref<64x384xf32, #tpu.memory_space<vmem>>, vector<1x16xf32>,
        %get3A_248 = arith.index_cast %scan3A_32 : i32 to index
        %get3A_249 = arith.constant 160 : index
        %get3A_250 = tpu.vector_load %arg13[%get3A_248, %get3A_249] {strides = array<i32>} : memref<64x512xf32, #tpu.memory_space<vmem>>, vector<1x16xf32>,
        %get3A_251 = vector.shape_cast %get3A_250 : vector<1x16xf32> to vector<16xf32>
        %get3A_252 = arith.index_cast %scan3A_32 : i32 to index
        %get3A_253 = arith.constant 160 : index
        %get3A_254 = tpu.vector_load %arg14[%get3A_252, %get3A_253] {strides = array<i32>} : memref<64x512xf32, #tpu.memory_space<vmem>>, vector<1x16xf32>,
        %get3A_255 = vector.shape_cast %get3A_254 : vector<1x16xf32> to vector<16xf32>
        %mul3A_256 = arith.mulf %mul3A_84, %get3A_251 : vector<16xf32>
        %mul3A_257 = arith.mulf %mul3A_88, %get3A_255 : vector<16xf32>
        %add3A_258 = arith.addf %mul3A_256, %mul3A_257 : vector<16xf32>
        %swap3A_259 = arith.index_cast %scan3A_32 : i32 to index
        %swap3A_260 = arith.constant 160 : index
        %swap3A_261 = tpu.vector_load %arg15[%swap3A_259, %swap3A_260] {strides = array<i32>} : memref<64x384xf32, #tpu.memory_space<vmem>>, vector<1x16xf32>,
        %swap3A_262 = vector.shape_cast %swap3A_261 : vector<1x16xf32> to vector<16xf32>
        %swap3A_263 = vector.shape_cast %add3A_258 : vector<16xf32> to vector<1x16xf32>
        tpu.vector_store %arg15[%swap3A_259, %swap3A_260], %swap3A_263 {strides = array<i32>} : memref<64x384xf32, #tpu.memory_space<vmem>>, vector<1x16xf32>,
        %get3A_264 = arith.index_cast %scan3A_32 : i32 to index
        %get3A_265 = arith.constant 176 : index
        %get3A_266 = tpu.vector_load %arg13[%get3A_264, %get3A_265] {strides = array<i32>} : memref<64x512xf32, #tpu.memory_space<vmem>>, vector<1x16xf32>,
        %get3A_267 = vector.shape_cast %get3A_266 : vector<1x16xf32> to vector<16xf32>
        %get3A_268 = arith.index_cast %scan3A_32 : i32 to index
        %get3A_269 = arith.constant 176 : index
        %get3A_270 = tpu.vector_load %arg14[%get3A_268, %get3A_269] {strides = array<i32>} : memref<64x512xf32, #tpu.memory_space<vmem>>, vector<1x16xf32>,
        %get3A_271 = vector.shape_cast %get3A_270 : vector<1x16xf32> to vector<16xf32>
        %mul3A_272 = arith.mulf %mul3A_84, %get3A_267 : vector<16xf32>
        %mul3A_273 = arith.mulf %mul3A_88, %get3A_271 : vector<16xf32>
        %add3A_274 = arith.addf %mul3A_272, %mul3A_273 : vector<16xf32>
        %swap3A_275 = arith.index_cast %scan3A_32 : i32 to index
        %swap3A_276 = arith.constant 176 : index
        %swap3A_277 = tpu.vector_load %arg15[%swap3A_275, %swap3A_276] {strides = array<i32>} : memref<64x384xf32, #tpu.memory_space<vmem>>, vector<1x16xf32>,
        %swap3A_278 = vector.shape_cast %swap3A_277 : vector<1x16xf32> to vector<16xf32>
        %swap3A_279 = vector.shape_cast %add3A_274 : vector<16xf32> to vector<1x16xf32>
        tpu.vector_store %arg15[%swap3A_275, %swap3A_276], %swap3A_279 {strides = array<i32>} : memref<64x384xf32, #tpu.memory_space<vmem>>, vector<1x16xf32>,
        %get3A_280 = arith.index_cast %scan3A_32 : i32 to index
        %get3A_281 = arith.constant 192 : index
        %get3A_282 = tpu.vector_load %arg13[%get3A_280, %get3A_281] {strides = array<i32>} : memref<64x512xf32, #tpu.memory_space<vmem>>, vector<1x16xf32>,
        %get3A_283 = vector.shape_cast %get3A_282 : vector<1x16xf32> to vector<16xf32>
        %get3A_284 = arith.index_cast %scan3A_32 : i32 to index
        %get3A_285 = arith.constant 192 : index
        %get3A_286 = tpu.vector_load %arg14[%get3A_284, %get3A_285] {strides = array<i32>} : memref<64x512xf32, #tpu.memory_space<vmem>>, vector<1x16xf32>,
        %get3A_287 = vector.shape_cast %get3A_286 : vector<1x16xf32> to vector<16xf32>
        %mul3A_288 = arith.mulf %mul3A_84, %get3A_283 : vector<16xf32>
        %mul3A_289 = arith.mulf %mul3A_88, %get3A_287 : vector<16xf32>
        %add3A_290 = arith.addf %mul3A_288, %mul3A_289 : vector<16xf32>
        %swap3A_291 = arith.index_cast %scan3A_32 : i32 to index
        %swap3A_292 = arith.constant 192 : index
        %swap3A_293 = tpu.vector_load %arg15[%swap3A_291, %swap3A_292] {strides = array<i32>} : memref<64x384xf32, #tpu.memory_space<vmem>>, vector<1x16xf32>,
        %swap3A_294 = vector.shape_cast %swap3A_293 : vector<1x16xf32> to vector<16xf32>
        %swap3A_295 = vector.shape_cast %add3A_290 : vector<16xf32> to vector<1x16xf32>
        tpu.vector_store %arg15[%swap3A_291, %swap3A_292], %swap3A_295 {strides = array<i32>} : memref<64x384xf32, #tpu.memory_space<vmem>>, vector<1x16xf32>,
        %get3A_296 = arith.index_cast %scan3A_32 : i32 to index
        %get3A_297 = arith.constant 208 : index
        %get3A_298 = tpu.vector_load %arg13[%get3A_296, %get3A_297] {strides = array<i32>} : memref<64x512xf32, #tpu.memory_space<vmem>>, vector<1x16xf32>,
        %get3A_299 = vector.shape_cast %get3A_298 : vector<1x16xf32> to vector<16xf32>
        %get3A_300 = arith.index_cast %scan3A_32 : i32 to index
        %get3A_301 = arith.constant 208 : index
        %get3A_302 = tpu.vector_load %arg14[%get3A_300, %get3A_301] {strides = array<i32>} : memref<64x512xf32, #tpu.memory_space<vmem>>, vector<1x16xf32>,
        %get3A_303 = vector.shape_cast %get3A_302 : vector<1x16xf32> to vector<16xf32>
        %mul3A_304 = arith.mulf %mul3A_84, %get3A_299 : vector<16xf32>
        %mul3A_305 = arith.mulf %mul3A_88, %get3A_303 : vector<16xf32>
        %add3A_306 = arith.addf %mul3A_304, %mul3A_305 : vector<16xf32>
        %swap3A_307 = arith.index_cast %scan3A_32 : i32 to index
        %swap3A_308 = arith.constant 208 : index
        %swap3A_309 = tpu.vector_load %arg15[%swap3A_307, %swap3A_308] {strides = array<i32>} : memref<64x384xf32, #tpu.memory_space<vmem>>, vector<1x16xf32>,
        %swap3A_310 = vector.shape_cast %swap3A_309 : vector<1x16xf32> to vector<16xf32>
        %swap3A_311 = vector.shape_cast %add3A_306 : vector<16xf32> to vector<1x16xf32>
        tpu.vector_store %arg15[%swap3A_307, %swap3A_308], %swap3A_311 {strides = array<i32>} : memref<64x384xf32, #tpu.memory_space<vmem>>, vector<1x16xf32>,
        %get3A_312 = arith.index_cast %scan3A_32 : i32 to index
        %get3A_313 = arith.constant 224 : index
        %get3A_314 = tpu.vector_load %arg13[%get3A_312, %get3A_313] {strides = array<i32>} : memref<64x512xf32, #tpu.memory_space<vmem>>, vector<1x16xf32>,
        %get3A_315 = vector.shape_cast %get3A_314 : vector<1x16xf32> to vector<16xf32>
        %get3A_316 = arith.index_cast %scan3A_32 : i32 to index
        %get3A_317 = arith.constant 224 : index
        %get3A_318 = tpu.vector_load %arg14[%get3A_316, %get3A_317] {strides = array<i32>} : memref<64x512xf32, #tpu.memory_space<vmem>>, vector<1x16xf32>,
        %get3A_319 = vector.shape_cast %get3A_318 : vector<1x16xf32> to vector<16xf32>
        %mul3A_320 = arith.mulf %mul3A_84, %get3A_315 : vector<16xf32>
        %mul3A_321 = arith.mulf %mul3A_88, %get3A_319 : vector<16xf32>
        %add3A_322 = arith.addf %mul3A_320, %mul3A_321 : vector<16xf32>
        %swap3A_323 = arith.index_cast %scan3A_32 : i32 to index
        %swap3A_324 = arith.constant 224 : index
        %swap3A_325 = tpu.vector_load %arg15[%swap3A_323, %swap3A_324] {strides = array<i32>} : memref<64x384xf32, #tpu.memory_space<vmem>>, vector<1x16xf32>,
        %swap3A_326 = vector.shape_cast %swap3A_325 : vector<1x16xf32> to vector<16xf32>
        %swap3A_327 = vector.shape_cast %add3A_322 : vector<16xf32> to vector<1x16xf32>
        tpu.vector_store %arg15[%swap3A_323, %swap3A_324], %swap3A_327 {strides = array<i32>} : memref<64x384xf32, #tpu.memory_space<vmem>>, vector<1x16xf32>,
        %get3A_328 = arith.index_cast %scan3A_32 : i32 to index
        %get3A_329 = arith.constant 240 : index
        %get3A_330 = tpu.vector_load %arg13[%get3A_328, %get3A_329] {strides = array<i32>} : memref<64x512xf32, #tpu.memory_space<vmem>>, vector<1x16xf32>,
        %get3A_331 = vector.shape_cast %get3A_330 : vector<1x16xf32> to vector<16xf32>
        %get3A_332 = arith.index_cast %scan3A_32 : i32 to index
        %get3A_333 = arith.constant 240 : index
        %get3A_334 = tpu.vector_load %arg14[%get3A_332, %get3A_333] {strides = array<i32>} : memref<64x512xf32, #tpu.memory_space<vmem>>, vector<1x16xf32>,
        %get3A_335 = vector.shape_cast %get3A_334 : vector<1x16xf32> to vector<16xf32>
        %mul3A_336 = arith.mulf %mul3A_84, %get3A_331 : vector<16xf32>
        %mul3A_337 = arith.mulf %mul3A_88, %get3A_335 : vector<16xf32>
        %add3A_338 = arith.addf %mul3A_336, %mul3A_337 : vector<16xf32>
        %swap3A_339 = arith.index_cast %scan3A_32 : i32 to index
        %swap3A_340 = arith.constant 240 : index
        %swap3A_341 = tpu.vector_load %arg15[%swap3A_339, %swap3A_340] {strides = array<i32>} : memref<64x384xf32, #tpu.memory_space<vmem>>, vector<1x16xf32>,
        %swap3A_342 = vector.shape_cast %swap3A_341 : vector<1x16xf32> to vector<16xf32>
        %swap3A_343 = vector.shape_cast %add3A_338 : vector<16xf32> to vector<1x16xf32>
        tpu.vector_store %arg15[%swap3A_339, %swap3A_340], %swap3A_343 {strides = array<i32>} : memref<64x384xf32, #tpu.memory_space<vmem>>, vector<1x16xf32>,
        %get3A_344 = arith.index_cast %scan3A_32 : i32 to index
        %get3A_345 = arith.constant 256 : index
        %get3A_346 = tpu.vector_load %arg13[%get3A_344, %get3A_345] {strides = array<i32>} : memref<64x512xf32, #tpu.memory_space<vmem>>, vector<1x16xf32>,
        %get3A_347 = vector.shape_cast %get3A_346 : vector<1x16xf32> to vector<16xf32>
        %get3A_348 = arith.index_cast %scan3A_32 : i32 to index
        %get3A_349 = arith.constant 256 : index
        %get3A_350 = tpu.vector_load %arg14[%get3A_348, %get3A_349] {strides = array<i32>} : memref<64x512xf32, #tpu.memory_space<vmem>>, vector<1x16xf32>,
        %get3A_351 = vector.shape_cast %get3A_350 : vector<1x16xf32> to vector<16xf32>
        %mul3A_352 = arith.mulf %mul3A_84, %get3A_347 : vector<16xf32>
        %mul3A_353 = arith.mulf %mul3A_88, %get3A_351 : vector<16xf32>
        %add3A_354 = arith.addf %mul3A_352, %mul3A_353 : vector<16xf32>
        %swap3A_355 = arith.index_cast %scan3A_32 : i32 to index
        %swap3A_356 = arith.constant 256 : index
        %swap3A_357 = tpu.vector_load %arg15[%swap3A_355, %swap3A_356] {strides = array<i32>} : memref<64x384xf32, #tpu.memory_space<vmem>>, vector<1x16xf32>,
        %swap3A_358 = vector.shape_cast %swap3A_357 : vector<1x16xf32> to vector<16xf32>
        %swap3A_359 = vector.shape_cast %add3A_354 : vector<16xf32> to vector<1x16xf32>
        tpu.vector_store %arg15[%swap3A_355, %swap3A_356], %swap3A_359 {strides = array<i32>} : memref<64x384xf32, #tpu.memory_space<vmem>>, vector<1x16xf32>,
        %get3A_360 = arith.index_cast %scan3A_32 : i32 to index
        %get3A_361 = arith.constant 272 : index
        %get3A_362 = tpu.vector_load %arg13[%get3A_360, %get3A_361] {strides = array<i32>} : memref<64x512xf32, #tpu.memory_space<vmem>>, vector<1x16xf32>,
        %get3A_363 = vector.shape_cast %get3A_362 : vector<1x16xf32> to vector<16xf32>
        %get3A_364 = arith.index_cast %scan3A_32 : i32 to index
        %get3A_365 = arith.constant 272 : index
        %get3A_366 = tpu.vector_load %arg14[%get3A_364, %get3A_365] {strides = array<i32>} : memref<64x512xf32, #tpu.memory_space<vmem>>, vector<1x16xf32>,
        %get3A_367 = vector.shape_cast %get3A_366 : vector<1x16xf32> to vector<16xf32>
        %mul3A_368 = arith.mulf %mul3A_84, %get3A_363 : vector<16xf32>
        %mul3A_369 = arith.mulf %mul3A_88, %get3A_367 : vector<16xf32>
        %add3A_370 = arith.addf %mul3A_368, %mul3A_369 : vector<16xf32>
        %swap3A_371 = arith.index_cast %scan3A_32 : i32 to index
        %swap3A_372 = arith.constant 272 : index
        %swap3A_373 = tpu.vector_load %arg15[%swap3A_371, %swap3A_372] {strides = array<i32>} : memref<64x384xf32, #tpu.memory_space<vmem>>, vector<1x16xf32>,
        %swap3A_374 = vector.shape_cast %swap3A_373 : vector<1x16xf32> to vector<16xf32>
        %swap3A_375 = vector.shape_cast %add3A_370 : vector<16xf32> to vector<1x16xf32>
        tpu.vector_store %arg15[%swap3A_371, %swap3A_372], %swap3A_375 {strides = array<i32>} : memref<64x384xf32, #tpu.memory_space<vmem>>, vector<1x16xf32>,
        %get3A_376 = arith.index_cast %scan3A_32 : i32 to index
        %get3A_377 = arith.constant 288 : index
        %get3A_378 = tpu.vector_load %arg13[%get3A_376, %get3A_377] {strides = array<i32>} : memref<64x512xf32, #tpu.memory_space<vmem>>, vector<1x16xf32>,
        %get3A_379 = vector.shape_cast %get3A_378 : vector<1x16xf32> to vector<16xf32>
        %get3A_380 = arith.index_cast %scan3A_32 : i32 to index
        %get3A_381 = arith.constant 288 : index
        %get3A_382 = tpu.vector_load %arg14[%get3A_380, %get3A_381] {strides = array<i32>} : memref<64x512xf32, #tpu.memory_space<vmem>>, vector<1x16xf32>,
        %get3A_383 = vector.shape_cast %get3A_382 : vector<1x16xf32> to vector<16xf32>
        %mul3A_384 = arith.mulf %mul3A_84, %get3A_379 : vector<16xf32>
        %mul3A_385 = arith.mulf %mul3A_88, %get3A_383 : vector<16xf32>
        %add3A_386 = arith.addf %mul3A_384, %mul3A_385 : vector<16xf32>
        %swap3A_387 = arith.index_cast %scan3A_32 : i32 to index
        %swap3A_388 = arith.constant 288 : index
        %swap3A_389 = tpu.vector_load %arg15[%swap3A_387, %swap3A_388] {strides = array<i32>} : memref<64x384xf32, #tpu.memory_space<vmem>>, vector<1x16xf32>,
        %swap3A_390 = vector.shape_cast %swap3A_389 : vector<1x16xf32> to vector<16xf32>
        %swap3A_391 = vector.shape_cast %add3A_386 : vector<16xf32> to vector<1x16xf32>
        tpu.vector_store %arg15[%swap3A_387, %swap3A_388], %swap3A_391 {strides = array<i32>} : memref<64x384xf32, #tpu.memory_space<vmem>>, vector<1x16xf32>,
        %get3A_392 = arith.index_cast %scan3A_32 : i32 to index
        %get3A_393 = arith.constant 304 : index
        %get3A_394 = tpu.vector_load %arg13[%get3A_392, %get3A_393] {strides = array<i32>} : memref<64x512xf32, #tpu.memory_space<vmem>>, vector<1x16xf32>,
        %get3A_395 = vector.shape_cast %get3A_394 : vector<1x16xf32> to vector<16xf32>
        %get3A_396 = arith.index_cast %scan3A_32 : i32 to index
        %get3A_397 = arith.constant 304 : index
        %get3A_398 = tpu.vector_load %arg14[%get3A_396, %get3A_397] {strides = array<i32>} : memref<64x512xf32, #tpu.memory_space<vmem>>, vector<1x16xf32>,
        %get3A_399 = vector.shape_cast %get3A_398 : vector<1x16xf32> to vector<16xf32>
        %mul3A_400 = arith.mulf %mul3A_84, %get3A_395 : vector<16xf32>
        %mul3A_401 = arith.mulf %mul3A_88, %get3A_399 : vector<16xf32>
        %add3A_402 = arith.addf %mul3A_400, %mul3A_401 : vector<16xf32>
        %swap3A_403 = arith.index_cast %scan3A_32 : i32 to index
        %swap3A_404 = arith.constant 304 : index
        %swap3A_405 = tpu.vector_load %arg15[%swap3A_403, %swap3A_404] {strides = array<i32>} : memref<64x384xf32, #tpu.memory_space<vmem>>, vector<1x16xf32>,
        %swap3A_406 = vector.shape_cast %swap3A_405 : vector<1x16xf32> to vector<16xf32>
        %swap3A_407 = vector.shape_cast %add3A_402 : vector<16xf32> to vector<1x16xf32>
        tpu.vector_store %arg15[%swap3A_403, %swap3A_404], %swap3A_407 {strides = array<i32>} : memref<64x384xf32, #tpu.memory_space<vmem>>, vector<1x16xf32>,
        %get3A_408 = arith.index_cast %scan3A_32 : i32 to index
        %get3A_409 = arith.constant 320 : index
        %get3A_410 = tpu.vector_load %arg13[%get3A_408, %get3A_409] {strides = array<i32>} : memref<64x512xf32, #tpu.memory_space<vmem>>, vector<1x16xf32>,
        %get3A_411 = vector.shape_cast %get3A_410 : vector<1x16xf32> to vector<16xf32>
        %get3A_412 = arith.index_cast %scan3A_32 : i32 to index
        %get3A_413 = arith.constant 320 : index
        %get3A_414 = tpu.vector_load %arg14[%get3A_412, %get3A_413] {strides = array<i32>} : memref<64x512xf32, #tpu.memory_space<vmem>>, vector<1x16xf32>,
        %get3A_415 = vector.shape_cast %get3A_414 : vector<1x16xf32> to vector<16xf32>
        %mul3A_416 = arith.mulf %mul3A_84, %get3A_411 : vector<16xf32>
        %mul3A_417 = arith.mulf %mul3A_88, %get3A_415 : vector<16xf32>
        %add3A_418 = arith.addf %mul3A_416, %mul3A_417 : vector<16xf32>
        %swap3A_419 = arith.index_cast %scan3A_32 : i32 to index
        %swap3A_420 = arith.constant 320 : index
        %swap3A_421 = tpu.vector_load %arg15[%swap3A_419, %swap3A_420] {strides = array<i32>} : memref<64x384xf32, #tpu.memory_space<vmem>>, vector<1x16xf32>,
        %swap3A_422 = vector.shape_cast %swap3A_421 : vector<1x16xf32> to vector<16xf32>
        %swap3A_423 = vector.shape_cast %add3A_418 : vector<16xf32> to vector<1x16xf32>
        tpu.vector_store %arg15[%swap3A_419, %swap3A_420], %swap3A_423 {strides = array<i32>} : memref<64x384xf32, #tpu.memory_space<vmem>>, vector<1x16xf32>,
        %get3A_424 = arith.index_cast %scan3A_32 : i32 to index
        %get3A_425 = arith.constant 336 : index
        %get3A_426 = tpu.vector_load %arg13[%get3A_424, %get3A_425] {strides = array<i32>} : memref<64x512xf32, #tpu.memory_space<vmem>>, vector<1x16xf32>,
        %get3A_427 = vector.shape_cast %get3A_426 : vector<1x16xf32> to vector<16xf32>
        %get3A_428 = arith.index_cast %scan3A_32 : i32 to index
        %get3A_429 = arith.constant 336 : index
        %get3A_430 = tpu.vector_load %arg14[%get3A_428, %get3A_429] {strides = array<i32>} : memref<64x512xf32, #tpu.memory_space<vmem>>, vector<1x16xf32>,
        %get3A_431 = vector.shape_cast %get3A_430 : vector<1x16xf32> to vector<16xf32>
        %mul3A_432 = arith.mulf %mul3A_84, %get3A_427 : vector<16xf32>
        %mul3A_433 = arith.mulf %mul3A_88, %get3A_431 : vector<16xf32>
        %add3A_434 = arith.addf %mul3A_432, %mul3A_433 : vector<16xf32>
        %swap3A_435 = arith.index_cast %scan3A_32 : i32 to index
        %swap3A_436 = arith.constant 336 : index
        %swap3A_437 = tpu.vector_load %arg15[%swap3A_435, %swap3A_436] {strides = array<i32>} : memref<64x384xf32, #tpu.memory_space<vmem>>, vector<1x16xf32>,
        %swap3A_438 = vector.shape_cast %swap3A_437 : vector<1x16xf32> to vector<16xf32>
        %swap3A_439 = vector.shape_cast %add3A_434 : vector<16xf32> to vector<1x16xf32>
        tpu.vector_store %arg15[%swap3A_435, %swap3A_436], %swap3A_439 {strides = array<i32>} : memref<64x384xf32, #tpu.memory_space<vmem>>, vector<1x16xf32>,
        %get3A_440 = arith.index_cast %scan3A_32 : i32 to index
        %get3A_441 = arith.constant 352 : index
        %get3A_442 = tpu.vector_load %arg13[%get3A_440, %get3A_441] {strides = array<i32>} : memref<64x512xf32, #tpu.memory_space<vmem>>, vector<1x16xf32>,
        %get3A_443 = vector.shape_cast %get3A_442 : vector<1x16xf32> to vector<16xf32>
        %get3A_444 = arith.index_cast %scan3A_32 : i32 to index
        %get3A_445 = arith.constant 352 : index
        %get3A_446 = tpu.vector_load %arg14[%get3A_444, %get3A_445] {strides = array<i32>} : memref<64x512xf32, #tpu.memory_space<vmem>>, vector<1x16xf32>,
        %get3A_447 = vector.shape_cast %get3A_446 : vector<1x16xf32> to vector<16xf32>
        %mul3A_448 = arith.mulf %mul3A_84, %get3A_443 : vector<16xf32>
        %mul3A_449 = arith.mulf %mul3A_88, %get3A_447 : vector<16xf32>
        %add3A_450 = arith.addf %mul3A_448, %mul3A_449 : vector<16xf32>
        %swap3A_451 = arith.index_cast %scan3A_32 : i32 to index
        %swap3A_452 = arith.constant 352 : index
        %swap3A_453 = tpu.vector_load %arg15[%swap3A_451, %swap3A_452] {strides = array<i32>} : memref<64x384xf32, #tpu.memory_space<vmem>>, vector<1x16xf32>,
        %swap3A_454 = vector.shape_cast %swap3A_453 : vector<1x16xf32> to vector<16xf32>
        %swap3A_455 = vector.shape_cast %add3A_450 : vector<16xf32> to vector<1x16xf32>
        tpu.vector_store %arg15[%swap3A_451, %swap3A_452], %swap3A_455 {strides = array<i32>} : memref<64x384xf32, #tpu.memory_space<vmem>>, vector<1x16xf32>,
        %get3A_456 = arith.index_cast %scan3A_32 : i32 to index
        %get3A_457 = arith.constant 368 : index
        %get3A_458 = tpu.vector_load %arg13[%get3A_456, %get3A_457] {strides = array<i32>} : memref<64x512xf32, #tpu.memory_space<vmem>>, vector<1x16xf32>,
        %get3A_459 = vector.shape_cast %get3A_458 : vector<1x16xf32> to vector<16xf32>
        %get3A_460 = arith.index_cast %scan3A_32 : i32 to index
        %get3A_461 = arith.constant 368 : index
        %get3A_462 = tpu.vector_load %arg14[%get3A_460, %get3A_461] {strides = array<i32>} : memref<64x512xf32, #tpu.memory_space<vmem>>, vector<1x16xf32>,
        %get3A_463 = vector.shape_cast %get3A_462 : vector<1x16xf32> to vector<16xf32>
        %mul3A_464 = arith.mulf %mul3A_84, %get3A_459 : vector<16xf32>
        %mul3A_465 = arith.mulf %mul3A_88, %get3A_463 : vector<16xf32>
        %add3A_466 = arith.addf %mul3A_464, %mul3A_465 : vector<16xf32>
        %swap3A_467 = arith.index_cast %scan3A_32 : i32 to index
        %swap3A_468 = arith.constant 368 : index
        %swap3A_469 = tpu.vector_load %arg15[%swap3A_467, %swap3A_468] {strides = array<i32>} : memref<64x384xf32, #tpu.memory_space<vmem>>, vector<1x16xf32>,
        %swap3A_470 = vector.shape_cast %swap3A_469 : vector<1x16xf32> to vector<16xf32>
        %swap3A_471 = vector.shape_cast %add3A_466 : vector<16xf32> to vector<1x16xf32>
        tpu.vector_store %arg15[%swap3A_467, %swap3A_468], %swap3A_471 {strides = array<i32>} : memref<64x384xf32, #tpu.memory_space<vmem>>, vector<1x16xf32>,
        %scan3A_472 = arith.constant 0 : i32
        scf.yield %scan3A_472 : i32
      }
      %scan3A_30 = arith.constant 64 : i32
      "tpu.region"() ({
        %run_scoped3A = tpu.sem_alloc : memref<!tpu.dma_semaphore, #tpu.memory_space<semaphore_mem>>
        %dma_start3A_32 = arith.constant 0 : i32
        %dma_start3A_33 = tpu.memref_slice %arg8[%add3A_13, %dma_start3A_32] : memref<16384x384xf32, #tpu.memory_space<hbm>> -> memref<64x384xf32, #tpu.memory_space<hbm>>
        %dma_start3A_34 = arith.constant 0 : i32
        %dma_start3A_35 = tpu.memref_slice %arg8[%add3A_13, %dma_start3A_34] : memref<16384x384xf32, #tpu.memory_space<hbm>> -> memref<64x384xf32, #tpu.memory_space<hbm>>
        tpu.enqueue_dma source(%arg15 : memref<64x384xf32, #tpu.memory_space<vmem>>) target(%dma_start3A_35 : memref<64x384xf32, #tpu.memory_space<hbm>>) target_semaphore(%run_scoped3A : memref<!tpu.dma_semaphore, #tpu.memory_space<semaphore_mem>>)
        %dma_wait3A_36 = arith.constant 0 : i32
        %dma_wait3A_37 = tpu.memref_slice %arg8[%add3A_13, %dma_wait3A_36] : memref<16384x384xf32, #tpu.memory_space<hbm>> -> memref<64x384xf32, #tpu.memory_space<hbm>>
        %dma_wait3A_38 = arith.constant 0 : i32
        %dma_wait3A_39 = tpu.memref_slice %arg8[%add3A_13, %dma_wait3A_38] : memref<16384x384xf32, #tpu.memory_space<hbm>> -> memref<64x384xf32, #tpu.memory_space<hbm>>
        tpu.wait_dma2 semaphore(%run_scoped3A : memref<!tpu.dma_semaphore, #tpu.memory_space<semaphore_mem>>) src(%arg15 : memref<64x384xf32, #tpu.memory_space<vmem>>) dst(%dma_wait3A_39 : memref<64x384xf32, #tpu.memory_space<hbm>>)
        tpu.yield
      }) : () -> ()
      %scan3A_31 = arith.constant 0 : i32
      scf.yield %scan3A_31 : i32
    }
    %scan3A_8 = arith.constant 8 : i32
    return
  }
}

module attributes {stable_mosaic.version = 14 : i64} {
  func.func @_idx_body(%arg0: i32, %arg1: memref<1x100x2xi32, #tpu.memory_space<smem>>, %arg2: memref<1x100x2xi32, #tpu.memory_space<smem>>, %arg3: memref<1x8x512xi32, #tpu.memory_space<vmem>>, %arg4: memref<1x8x512xi32, #tpu.memory_space<vmem>>, %arg5: memref<1x8x512xi32, #tpu.memory_space<vmem>>, %arg6: memref<8x512xi32, #tpu.memory_space<vmem>>, %arg7: memref<8x512xi32, #tpu.memory_space<vmem>>, %arg8: memref<8x512xi32, #tpu.memory_space<vmem>>, %arg9: memref<8x512xi32, #tpu.memory_space<vmem>>, %arg10: memref<8x512xi32, #tpu.memory_space<vmem>>) attributes {dimension_semantics = [#tpu.dimension_semantics<arbitrary>], iteration_bounds = array<i64: 4>, scalar_prefetch = 0 : i64, scratch_operands = 5 : i64, tpu.core_type = #tpu.core_type<tc>, window_params = [{transform_indices = @transform_0, window_bounds = array<i64: 1, 100, 2>}, {transform_indices = @transform_1, window_bounds = array<i64: 1, 100, 2>}, {transform_indices = @transform_2, window_bounds = array<i64: 1, 8, 512>}, {transform_indices = @transform_3, window_bounds = array<i64: 1, 8, 512>}, {transform_indices = @transform_4, window_bounds = array<i64: 1, 8, 512>}]} {
    %iota3A = tpu.iota {dimensions = array<i32: 0>} : vector<8x512xi32>
    %iota3A_0 = tpu.iota {dimensions = array<i32: 1>} : vector<8x512xi32>
    %mul3A = arith.constant 512 : i32
    %mul3A_1 = vector.broadcast %mul3A : i32 to vector<8x512xi32>
    %mul3A_2 = arith.muli %iota3A, %mul3A_1 : vector<8x512xi32>
    %add3A = arith.addi %mul3A_2, %iota3A_0 : vector<8x512xi32>
    %shift_right_arithmetic3A = arith.constant 6 : i32
    %shift_right_arithmetic3A_3 = vector.broadcast %shift_right_arithmetic3A : i32 to vector<8x512xi32>
    %shift_right_arithmetic3A_4 = arith.shrsi %add3A, %shift_right_arithmetic3A_3 : vector<8x512xi32>
    %and3A = arith.constant 63 : i32
    %and3A_5 = vector.broadcast %and3A : i32 to vector<8x512xi32>
    %and3A_6 = arith.andi %add3A, %and3A_5 : vector<8x512xi32>
    %swap3A = arith.constant 0 : index
    %swap3A_7 = arith.constant 0 : index
    %swap3A_8 = vector.load %arg6[%swap3A, %swap3A_7] : memref<8x512xi32, #tpu.memory_space<vmem>>, vector<8x512xi32>
    tpu.vector_store %arg6[%swap3A, %swap3A_7], %shift_right_arithmetic3A_4 {strides = array<i32>} : memref<8x512xi32, #tpu.memory_space<vmem>>, vector<8x512xi32>,
    %swap3A_9 = arith.constant 0 : index
    %swap3A_10 = arith.constant 0 : index
    %swap3A_11 = vector.load %arg7[%swap3A_9, %swap3A_10] : memref<8x512xi32, #tpu.memory_space<vmem>>, vector<8x512xi32>
    tpu.vector_store %arg7[%swap3A_9, %swap3A_10], %and3A_6 {strides = array<i32>} : memref<8x512xi32, #tpu.memory_space<vmem>>, vector<8x512xi32>,
    %swap3A_12 = arith.constant 0 : index
    %swap3A_13 = arith.constant 0 : index
    %swap3A_14 = vector.load %arg8[%swap3A_12, %swap3A_13] : memref<8x512xi32, #tpu.memory_space<vmem>>, vector<8x512xi32>
    tpu.vector_store %arg8[%swap3A_12, %swap3A_13], %shift_right_arithmetic3A_4 {strides = array<i32>} : memref<8x512xi32, #tpu.memory_space<vmem>>, vector<8x512xi32>,
    %swap3A_15 = arith.constant 0 : index
    %swap3A_16 = arith.constant 0 : index
    %swap3A_17 = vector.load %arg9[%swap3A_15, %swap3A_16] : memref<8x512xi32, #tpu.memory_space<vmem>>, vector<8x512xi32>
    tpu.vector_store %arg9[%swap3A_15, %swap3A_16], %and3A_6 {strides = array<i32>} : memref<8x512xi32, #tpu.memory_space<vmem>>, vector<8x512xi32>,
    %broadcast_in_dim3A = arith.constant 0 : i32
    %broadcast_in_dim3A_18 = vector.broadcast %broadcast_in_dim3A : i32 to vector<8x512xi32>
    %swap3A_19 = arith.constant 0 : index
    %swap3A_20 = arith.constant 0 : index
    %swap3A_21 = vector.load %arg10[%swap3A_19, %swap3A_20] : memref<8x512xi32, #tpu.memory_space<vmem>>, vector<8x512xi32>
    tpu.vector_store %arg10[%swap3A_19, %swap3A_20], %broadcast_in_dim3A_18 {strides = array<i32>} : memref<8x512xi32, #tpu.memory_space<vmem>>, vector<8x512xi32>,
    %scan3A = arith.constant 0 : i32
    %scan3A_22 = arith.constant 100 : i32
    %scan3A_23 = arith.addi %scan3A, %scan3A_22 : i32
    %scan3A_24 = arith.constant 1 : i32
    scf.for %scan3A_106 = %scan3A to %scan3A_23 step %scan3A_24  : i32 {
      %get3A_107 = arith.constant 0 : index
      %get3A_108 = arith.index_cast %scan3A_106 : i32 to index
      %get3A_109 = arith.constant 0 : index
      %get3A_110 = memref.load %arg1[%get3A_107, %get3A_108, %get3A_109] : memref<1x100x2xi32, #tpu.memory_space<smem>>
      %get3A_111 = arith.constant 0 : index
      %get3A_112 = arith.index_cast %scan3A_106 : i32 to index
      %get3A_113 = arith.constant 1 : index
      %get3A_114 = memref.load %arg1[%get3A_111, %get3A_112, %get3A_113] : memref<1x100x2xi32, #tpu.memory_space<smem>>
      %get3A_115 = arith.constant 0 : index
      %get3A_116 = arith.index_cast %scan3A_106 : i32 to index
      %get3A_117 = arith.constant 0 : index
      %get3A_118 = memref.load %arg2[%get3A_115, %get3A_116, %get3A_117] : memref<1x100x2xi32, #tpu.memory_space<smem>>
      %get3A_119 = arith.constant 0 : index
      %get3A_120 = arith.index_cast %scan3A_106 : i32 to index
      %get3A_121 = arith.constant 1 : index
      %get3A_122 = memref.load %arg2[%get3A_119, %get3A_120, %get3A_121] : memref<1x100x2xi32, #tpu.memory_space<smem>>
      %sub3A = arith.constant 4 : i32
      %sub3A_123 = arith.subi %get3A_114, %sub3A : i32
      %jit3A = arith.constant 0 : i32
      %jit3A_124 = arith.constant 57 : i32
      %max3A_125 = arith.maxsi %jit3A, %sub3A_123 : i32
      %min3A = arith.minsi %jit3A_124, %max3A_125 : i32
      %sub3A_126 = arith.constant 4 : i32
      %sub3A_127 = arith.subi %get3A_110, %sub3A_126 : i32
      %jit3A_128 = arith.constant 0 : i32
      %jit3A_129 = arith.constant 57 : i32
      %max3A_130 = arith.maxsi %jit3A_128, %sub3A_127 : i32
      %min3A_131 = arith.minsi %jit3A_129, %max3A_130 : i32
      %ge3A_132 = vector.broadcast %min3A : i32 to vector<8x512xi32>
      %ge3A_133 = arith.cmpi sge, %shift_right_arithmetic3A_4, %ge3A_132 : vector<8x512xi32>
      %add3A_134 = arith.constant 7 : i32
      %add3A_135 = arith.addi %min3A, %add3A_134 : i32
      %lt3A = vector.broadcast %add3A_135 : i32 to vector<8x512xi32>
      %lt3A_136 = arith.cmpi slt, %shift_right_arithmetic3A_4, %lt3A : vector<8x512xi32>
      %and3A_137 = arith.andi %ge3A_133, %lt3A_136 : vector<8x512xi1>
      %ge3A_138 = vector.broadcast %min3A_131 : i32 to vector<8x512xi32>
      %ge3A_139 = arith.cmpi sge, %and3A_6, %ge3A_138 : vector<8x512xi32>
      %and3A_140 = arith.andi %and3A_137, %ge3A_139 : vector<8x512xi1>
      %add3A_141 = arith.constant 7 : i32
      %add3A_142 = arith.addi %min3A_131, %add3A_141 : i32
      %lt3A_143 = vector.broadcast %add3A_142 : i32 to vector<8x512xi32>
      %lt3A_144 = arith.cmpi slt, %and3A_6, %lt3A_143 : vector<8x512xi32>
      %and3A_145 = arith.andi %and3A_140, %lt3A_144 : vector<8x512xi1>
      %sub3A_146 = arith.constant 3 : i32
      %sub3A_147 = arith.subi %get3A_114, %sub3A_146 : i32
      %sub3A_148 = vector.broadcast %min3A : i32 to vector<8x512xi32>
      %sub3A_149 = arith.subi %shift_right_arithmetic3A_4, %sub3A_148 : vector<8x512xi32>
      %add3A_150 = vector.broadcast %sub3A_147 : i32 to vector<8x512xi32>
      %add3A_151 = arith.addi %add3A_150, %sub3A_149 : vector<8x512xi32>
      %get3A_152 = arith.constant 0 : index
      %get3A_153 = arith.constant 0 : index
      %get3A_154 = vector.load %arg6[%get3A_152, %get3A_153] : memref<8x512xi32, #tpu.memory_space<vmem>>, vector<8x512xi32>
      %select_n3A = arith.select %and3A_145, %add3A_151, %get3A_154 : vector<8x512xi1>, vector<8x512xi32>
      %swap3A_155 = arith.constant 0 : index
      %swap3A_156 = arith.constant 0 : index
      %swap3A_157 = vector.load %arg6[%swap3A_155, %swap3A_156] : memref<8x512xi32, #tpu.memory_space<vmem>>, vector<8x512xi32>
      tpu.vector_store %arg6[%swap3A_155, %swap3A_156], %select_n3A {strides = array<i32>} : memref<8x512xi32, #tpu.memory_space<vmem>>, vector<8x512xi32>,
      %sub3A_158 = arith.constant 3 : i32
      %sub3A_159 = arith.subi %get3A_110, %sub3A_158 : i32
      %sub3A_160 = vector.broadcast %min3A_131 : i32 to vector<8x512xi32>
      %sub3A_161 = arith.subi %and3A_6, %sub3A_160 : vector<8x512xi32>
      %add3A_162 = vector.broadcast %sub3A_159 : i32 to vector<8x512xi32>
      %add3A_163 = arith.addi %add3A_162, %sub3A_161 : vector<8x512xi32>
      %get3A_164 = arith.constant 0 : index
      %get3A_165 = arith.constant 0 : index
      %get3A_166 = vector.load %arg7[%get3A_164, %get3A_165] : memref<8x512xi32, #tpu.memory_space<vmem>>, vector<8x512xi32>
      %select_n3A_167 = arith.select %and3A_145, %add3A_163, %get3A_166 : vector<8x512xi1>, vector<8x512xi32>
      %swap3A_168 = arith.constant 0 : index
      %swap3A_169 = arith.constant 0 : index
      %swap3A_170 = vector.load %arg7[%swap3A_168, %swap3A_169] : memref<8x512xi32, #tpu.memory_space<vmem>>, vector<8x512xi32>
      tpu.vector_store %arg7[%swap3A_168, %swap3A_169], %select_n3A_167 {strides = array<i32>} : memref<8x512xi32, #tpu.memory_space<vmem>>, vector<8x512xi32>,
      %sub3A_171 = arith.constant 3 : i32
      %sub3A_172 = arith.subi %get3A_122, %sub3A_171 : i32
      %sub3A_173 = vector.broadcast %min3A : i32 to vector<8x512xi32>
      %sub3A_174 = arith.subi %shift_right_arithmetic3A_4, %sub3A_173 : vector<8x512xi32>
      %add3A_175 = vector.broadcast %sub3A_172 : i32 to vector<8x512xi32>
      %add3A_176 = arith.addi %add3A_175, %sub3A_174 : vector<8x512xi32>
      %get3A_177 = arith.constant 0 : index
      %get3A_178 = arith.constant 0 : index
      %get3A_179 = vector.load %arg8[%get3A_177, %get3A_178] : memref<8x512xi32, #tpu.memory_space<vmem>>, vector<8x512xi32>
      %select_n3A_180 = arith.select %and3A_145, %add3A_176, %get3A_179 : vector<8x512xi1>, vector<8x512xi32>
      %swap3A_181 = arith.constant 0 : index
      %swap3A_182 = arith.constant 0 : index
      %swap3A_183 = vector.load %arg8[%swap3A_181, %swap3A_182] : memref<8x512xi32, #tpu.memory_space<vmem>>, vector<8x512xi32>
      tpu.vector_store %arg8[%swap3A_181, %swap3A_182], %select_n3A_180 {strides = array<i32>} : memref<8x512xi32, #tpu.memory_space<vmem>>, vector<8x512xi32>,
      %sub3A_184 = arith.constant 3 : i32
      %sub3A_185 = arith.subi %get3A_118, %sub3A_184 : i32
      %sub3A_186 = vector.broadcast %min3A_131 : i32 to vector<8x512xi32>
      %sub3A_187 = arith.subi %and3A_6, %sub3A_186 : vector<8x512xi32>
      %add3A_188 = vector.broadcast %sub3A_185 : i32 to vector<8x512xi32>
      %add3A_189 = arith.addi %add3A_188, %sub3A_187 : vector<8x512xi32>
      %get3A_190 = arith.constant 0 : index
      %get3A_191 = arith.constant 0 : index
      %get3A_192 = vector.load %arg9[%get3A_190, %get3A_191] : memref<8x512xi32, #tpu.memory_space<vmem>>, vector<8x512xi32>
      %select_n3A_193 = arith.select %and3A_145, %add3A_189, %get3A_192 : vector<8x512xi1>, vector<8x512xi32>
      %swap3A_194 = arith.constant 0 : index
      %swap3A_195 = arith.constant 0 : index
      %swap3A_196 = vector.load %arg9[%swap3A_194, %swap3A_195] : memref<8x512xi32, #tpu.memory_space<vmem>>, vector<8x512xi32>
      tpu.vector_store %arg9[%swap3A_194, %swap3A_195], %select_n3A_193 {strides = array<i32>} : memref<8x512xi32, #tpu.memory_space<vmem>>, vector<8x512xi32>,
      %get3A_197 = arith.constant 0 : index
      %get3A_198 = arith.constant 0 : index
      %get3A_199 = vector.load %arg10[%get3A_197, %get3A_198] : memref<8x512xi32, #tpu.memory_space<vmem>>, vector<8x512xi32>
      %jit3A_200 = arith.constant 1 : i32
      %broadcast_in_dim3A_201 = vector.broadcast %jit3A_200 : i32 to vector<8x512xi32>
      %select_n3A_202 = arith.select %and3A_145, %broadcast_in_dim3A_201, %get3A_199 : vector<8x512xi1>, vector<8x512xi32>
      %swap3A_203 = arith.constant 0 : index
      %swap3A_204 = arith.constant 0 : index
      %swap3A_205 = vector.load %arg10[%swap3A_203, %swap3A_204] : memref<8x512xi32, #tpu.memory_space<vmem>>, vector<8x512xi32>
      tpu.vector_store %arg10[%swap3A_203, %swap3A_204], %select_n3A_202 {strides = array<i32>} : memref<8x512xi32, #tpu.memory_space<vmem>>, vector<8x512xi32>,
    }
    %scan3A_25 = arith.constant 100 : i32
    %get3A = arith.constant 0 : index
    %get3A_26 = arith.constant 0 : index
    %get3A_27 = vector.load %arg6[%get3A, %get3A_26] : memref<8x512xi32, #tpu.memory_space<vmem>>, vector<8x512xi32>
    %get3A_28 = arith.constant 0 : index
    %get3A_29 = arith.constant 0 : index
    %get3A_30 = vector.load %arg7[%get3A_28, %get3A_29] : memref<8x512xi32, #tpu.memory_space<vmem>>, vector<8x512xi32>
    %get3A_31 = arith.constant 0 : index
    %get3A_32 = arith.constant 0 : index
    %get3A_33 = vector.load %arg8[%get3A_31, %get3A_32] : memref<8x512xi32, #tpu.memory_space<vmem>>, vector<8x512xi32>
    %get3A_34 = arith.constant 0 : index
    %get3A_35 = arith.constant 0 : index
    %get3A_36 = vector.load %arg9[%get3A_34, %get3A_35] : memref<8x512xi32, #tpu.memory_space<vmem>>, vector<8x512xi32>
    %get3A_37 = arith.constant 0 : index
    %get3A_38 = arith.constant 0 : index
    %get3A_39 = vector.load %arg10[%get3A_37, %get3A_38] : memref<8x512xi32, #tpu.memory_space<vmem>>, vector<8x512xi32>
    %gt3A = arith.constant 0 : i32
    %gt3A_40 = vector.broadcast %gt3A : i32 to vector<8x512xi32>
    %gt3A_41 = arith.cmpi sgt, %get3A_39, %gt3A_40 : vector<8x512xi32>
    %convert_element_type3A = arith.extui %gt3A_41 : vector<8x512xi1> to vector<8x512xi32>
    %ge3A = arith.constant -1 : i32
    %ge3A_42 = vector.broadcast %ge3A : i32 to vector<8x512xi32>
    %ge3A_43 = arith.cmpi sge, %get3A_27, %ge3A_42 : vector<8x512xi32>
    %ge3A_44 = arith.constant -1 : i32
    %ge3A_45 = vector.broadcast %ge3A_44 : i32 to vector<8x512xi32>
    %ge3A_46 = arith.cmpi sge, %get3A_30, %ge3A_45 : vector<8x512xi32>
    %and3A_47 = arith.andi %ge3A_43, %ge3A_46 : vector<8x512xi1>
    %convert_element_type3A_48 = arith.extui %and3A_47 : vector<8x512xi1> to vector<8x512xi32>
    %ge3A_49 = arith.constant -1 : i32
    %ge3A_50 = vector.broadcast %ge3A_49 : i32 to vector<8x512xi32>
    %ge3A_51 = arith.cmpi sge, %get3A_33, %ge3A_50 : vector<8x512xi32>
    %ge3A_52 = arith.constant -1 : i32
    %ge3A_53 = vector.broadcast %ge3A_52 : i32 to vector<8x512xi32>
    %ge3A_54 = arith.cmpi sge, %get3A_36, %ge3A_53 : vector<8x512xi32>
    %and3A_55 = arith.andi %ge3A_51, %ge3A_54 : vector<8x512xi1>
    %convert_element_type3A_56 = arith.extui %and3A_55 : vector<8x512xi1> to vector<8x512xi32>
    %mul3A_57 = arith.constant 4096 : i32
    %mul3A_58 = arith.muli %arg0, %mul3A_57 : i32
    %max3A = arith.constant 0 : i32
    %max3A_59 = vector.broadcast %max3A : i32 to vector<8x512xi32>
    %max3A_60 = arith.maxsi %get3A_27, %max3A_59 : vector<8x512xi32>
    %mul3A_61 = arith.constant 64 : i32
    %mul3A_62 = vector.broadcast %mul3A_61 : i32 to vector<8x512xi32>
    %mul3A_63 = arith.muli %max3A_60, %mul3A_62 : vector<8x512xi32>
    %add3A_64 = vector.broadcast %mul3A_58 : i32 to vector<8x512xi32>
    %add3A_65 = arith.addi %add3A_64, %mul3A_63 : vector<8x512xi32>
    %max3A_66 = arith.constant 0 : i32
    %max3A_67 = vector.broadcast %max3A_66 : i32 to vector<8x512xi32>
    %max3A_68 = arith.maxsi %get3A_30, %max3A_67 : vector<8x512xi32>
    %add3A_69 = arith.addi %add3A_65, %max3A_68 : vector<8x512xi32>
    %swap3A_70 = arith.constant 0 : index
    %swap3A_71 = arith.constant 0 : index
    %swap3A_72 = arith.constant 0 : index
    %swap3A_73 = vector.load %arg3[%swap3A_70, %swap3A_71, %swap3A_72] : memref<1x8x512xi32, #tpu.memory_space<vmem>>, vector<1x8x512xi32>
    %swap3A_74 = vector.shape_cast %swap3A_73 : vector<1x8x512xi32> to vector<8x512xi32>
    %swap3A_75 = vector.shape_cast %add3A_69 : vector<8x512xi32> to vector<1x8x512xi32>
    tpu.vector_store %arg3[%swap3A_70, %swap3A_71, %swap3A_72], %swap3A_75 {strides = array<i32>} : memref<1x8x512xi32, #tpu.memory_space<vmem>>, vector<1x8x512xi32>,
    %max3A_76 = arith.constant 0 : i32
    %max3A_77 = vector.broadcast %max3A_76 : i32 to vector<8x512xi32>
    %max3A_78 = arith.maxsi %get3A_33, %max3A_77 : vector<8x512xi32>
    %mul3A_79 = arith.constant 64 : i32
    %mul3A_80 = vector.broadcast %mul3A_79 : i32 to vector<8x512xi32>
    %mul3A_81 = arith.muli %max3A_78, %mul3A_80 : vector<8x512xi32>
    %add3A_82 = vector.broadcast %mul3A_58 : i32 to vector<8x512xi32>
    %add3A_83 = arith.addi %add3A_82, %mul3A_81 : vector<8x512xi32>
    %max3A_84 = arith.constant 0 : i32
    %max3A_85 = vector.broadcast %max3A_84 : i32 to vector<8x512xi32>
    %max3A_86 = arith.maxsi %get3A_36, %max3A_85 : vector<8x512xi32>
    %add3A_87 = arith.addi %add3A_83, %max3A_86 : vector<8x512xi32>
    %swap3A_88 = arith.constant 0 : index
    %swap3A_89 = arith.constant 0 : index
    %swap3A_90 = arith.constant 0 : index
    %swap3A_91 = vector.load %arg4[%swap3A_88, %swap3A_89, %swap3A_90] : memref<1x8x512xi32, #tpu.memory_space<vmem>>, vector<1x8x512xi32>
    %swap3A_92 = vector.shape_cast %swap3A_91 : vector<1x8x512xi32> to vector<8x512xi32>
    %swap3A_93 = vector.shape_cast %add3A_87 : vector<8x512xi32> to vector<1x8x512xi32>
    tpu.vector_store %arg4[%swap3A_88, %swap3A_89, %swap3A_90], %swap3A_93 {strides = array<i32>} : memref<1x8x512xi32, #tpu.memory_space<vmem>>, vector<1x8x512xi32>,
    %shift_left3A = arith.constant 1 : i32
    %shift_left3A_94 = vector.broadcast %shift_left3A : i32 to vector<8x512xi32>
    %shift_left3A_95 = arith.shli %convert_element_type3A_56, %shift_left3A_94 : vector<8x512xi32>
    %or3A = arith.ori %convert_element_type3A_48, %shift_left3A_95 : vector<8x512xi32>
    %shift_left3A_96 = arith.constant 2 : i32
    %shift_left3A_97 = vector.broadcast %shift_left3A_96 : i32 to vector<8x512xi32>
    %shift_left3A_98 = arith.shli %convert_element_type3A, %shift_left3A_97 : vector<8x512xi32>
    %or3A_99 = arith.ori %or3A, %shift_left3A_98 : vector<8x512xi32>
    %swap3A_100 = arith.constant 0 : index
    %swap3A_101 = arith.constant 0 : index
    %swap3A_102 = arith.constant 0 : index
    %swap3A_103 = vector.load %arg5[%swap3A_100, %swap3A_101, %swap3A_102] : memref<1x8x512xi32, #tpu.memory_space<vmem>>, vector<1x8x512xi32>
    %swap3A_104 = vector.shape_cast %swap3A_103 : vector<1x8x512xi32> to vector<8x512xi32>
    %swap3A_105 = vector.shape_cast %or3A_99 : vector<8x512xi32> to vector<1x8x512xi32>
    tpu.vector_store %arg5[%swap3A_100, %swap3A_101, %swap3A_102], %swap3A_105 {strides = array<i32>} : memref<1x8x512xi32, #tpu.memory_space<vmem>>, vector<1x8x512xi32>,
    return
  }
  func.func @transform_0(%arg0: i32) -> (i32, i32, i32) {
    %c0_i32 = arith.constant 0 : i32
    %c0_i32_0 = arith.constant 0 : i32
    %c0_i32_1 = arith.constant 0 : i32
    return %arg0, %c0_i32, %c0_i32_0 : i32, i32, i32
  }
  func.func @transform_1(%arg0: i32) -> (i32, i32, i32) {
    %c0_i32 = arith.constant 0 : i32
    %c0_i32_0 = arith.constant 0 : i32
    %c0_i32_1 = arith.constant 0 : i32
    return %arg0, %c0_i32, %c0_i32_0 : i32, i32, i32
  }
  func.func @transform_2(%arg0: i32) -> (i32, i32, i32) {
    %c0_i32 = arith.constant 0 : i32
    %c0_i32_0 = arith.constant 0 : i32
    %c0_i32_1 = arith.constant 0 : i32
    return %arg0, %c0_i32, %c0_i32_0 : i32, i32, i32
  }
  func.func @transform_3(%arg0: i32) -> (i32, i32, i32) {
    %c0_i32 = arith.constant 0 : i32
    %c0_i32_0 = arith.constant 0 : i32
    %c0_i32_1 = arith.constant 0 : i32
    return %arg0, %c0_i32, %c0_i32_0 : i32, i32, i32
  }
  func.func @transform_4(%arg0: i32) -> (i32, i32, i32) {
    %c0_i32 = arith.constant 0 : i32
    %c0_i32_0 = arith.constant 0 : i32
    %c0_i32_1 = arith.constant 0 : i32
    return %arg0, %c0_i32, %c0_i32_0 : i32, i32, i32
  }
}

module attributes {stable_mosaic.version = 14 : i64} {
  func.func @_proj_body(%arg0: i32, %arg1: i32, %arg2: memref<1x384x8x64xf32, #tpu.memory_space<vmem>>, %arg3: memref<1x384x8x64xf32, #tpu.memory_space<vmem>>, %arg4: memref<2x384xf32, #tpu.memory_space<vmem>>, %arg5: memref<2x384xf32, #tpu.memory_space<vmem>>, %arg6: memref<1x512x512xf32, #tpu.memory_space<vmem>>, %arg7: memref<1x512x512xf32, #tpu.memory_space<vmem>>) attributes {dimension_semantics = [#tpu.dimension_semantics<arbitrary>, #tpu.dimension_semantics<arbitrary>], iteration_bounds = array<i64: 4, 8>, scalar_prefetch = 0 : i64, scratch_operands = 0 : i64, tpu.core_type = #tpu.core_type<tc>, window_params = [{transform_indices = @transform_0, window_bounds = array<i64: 1, 384, 8, 64>}, {transform_indices = @transform_1, window_bounds = array<i64: 1, 384, 8, 64>}, {pipeline_mode = #tpu.pipeline_mode<synchronous>, transform_indices = @transform_2, window_bounds = array<i64: 2, 384>}, {pipeline_mode = #tpu.pipeline_mode<synchronous>, transform_indices = @transform_3, window_bounds = array<i64: 2, 384>}, {transform_indices = @transform_4, window_bounds = array<i64: 1, 512, 512>}, {transform_indices = @transform_5, window_bounds = array<i64: 1, 512, 512>}]} {
    %broadcast_in_dim3A = arith.constant 0.000000e+00 : f32
    %broadcast_in_dim3A_0 = vector.broadcast %broadcast_in_dim3A : f32 to vector<512x126xf32>
    %get3A = arith.constant 0 : index
    %get3A_1 = arith.constant 0 : index
    %get3A_2 = arith.constant 0 : index
    %get3A_3 = arith.constant 0 : index
    %get3A_4 = vector.load %arg2[%get3A, %get3A_1, %get3A_2, %get3A_3] : memref<1x384x8x64xf32, #tpu.memory_space<vmem>>, vector<1x384x1x64xf32>
    %get3A_5 = vector.shape_cast %get3A_4 : vector<1x384x1x64xf32> to vector<384x64xf32>
    %transpose3A = tpu.transpose %get3A_5, [1, 0] : vector<384x64xf32> -> vector<64x384xf32>
    %get3A_6 = arith.constant 0 : index
    %get3A_7 = arith.constant 0 : index
    %get3A_8 = arith.constant 1 : index
    %get3A_9 = arith.constant 0 : index
    %get3A_10 = vector.load %arg2[%get3A_6, %get3A_7, %get3A_8, %get3A_9] : memref<1x384x8x64xf32, #tpu.memory_space<vmem>>, vector<1x384x1x64xf32>
    %get3A_11 = vector.shape_cast %get3A_10 : vector<1x384x1x64xf32> to vector<384x64xf32>
    %transpose3A_12 = tpu.transpose %get3A_11, [1, 0] : vector<384x64xf32> -> vector<64x384xf32>
    %get3A_13 = arith.constant 0 : index
    %get3A_14 = arith.constant 0 : index
    %get3A_15 = arith.constant 2 : index
    %get3A_16 = arith.constant 0 : index
    %get3A_17 = vector.load %arg2[%get3A_13, %get3A_14, %get3A_15, %get3A_16] : memref<1x384x8x64xf32, #tpu.memory_space<vmem>>, vector<1x384x1x64xf32>
    %get3A_18 = vector.shape_cast %get3A_17 : vector<1x384x1x64xf32> to vector<384x64xf32>
    %transpose3A_19 = tpu.transpose %get3A_18, [1, 0] : vector<384x64xf32> -> vector<64x384xf32>
    %get3A_20 = arith.constant 0 : index
    %get3A_21 = arith.constant 0 : index
    %get3A_22 = arith.constant 3 : index
    %get3A_23 = arith.constant 0 : index
    %get3A_24 = vector.load %arg2[%get3A_20, %get3A_21, %get3A_22, %get3A_23] : memref<1x384x8x64xf32, #tpu.memory_space<vmem>>, vector<1x384x1x64xf32>
    %get3A_25 = vector.shape_cast %get3A_24 : vector<1x384x1x64xf32> to vector<384x64xf32>
    %transpose3A_26 = tpu.transpose %get3A_25, [1, 0] : vector<384x64xf32> -> vector<64x384xf32>
    %get3A_27 = arith.constant 0 : index
    %get3A_28 = arith.constant 0 : index
    %get3A_29 = arith.constant 4 : index
    %get3A_30 = arith.constant 0 : index
    %get3A_31 = vector.load %arg2[%get3A_27, %get3A_28, %get3A_29, %get3A_30] : memref<1x384x8x64xf32, #tpu.memory_space<vmem>>, vector<1x384x1x64xf32>
    %get3A_32 = vector.shape_cast %get3A_31 : vector<1x384x1x64xf32> to vector<384x64xf32>
    %transpose3A_33 = tpu.transpose %get3A_32, [1, 0] : vector<384x64xf32> -> vector<64x384xf32>
    %get3A_34 = arith.constant 0 : index
    %get3A_35 = arith.constant 0 : index
    %get3A_36 = arith.constant 5 : index
    %get3A_37 = arith.constant 0 : index
    %get3A_38 = vector.load %arg2[%get3A_34, %get3A_35, %get3A_36, %get3A_37] : memref<1x384x8x64xf32, #tpu.memory_space<vmem>>, vector<1x384x1x64xf32>
    %get3A_39 = vector.shape_cast %get3A_38 : vector<1x384x1x64xf32> to vector<384x64xf32>
    %transpose3A_40 = tpu.transpose %get3A_39, [1, 0] : vector<384x64xf32> -> vector<64x384xf32>
    %get3A_41 = arith.constant 0 : index
    %get3A_42 = arith.constant 0 : index
    %get3A_43 = arith.constant 6 : index
    %get3A_44 = arith.constant 0 : index
    %get3A_45 = vector.load %arg2[%get3A_41, %get3A_42, %get3A_43, %get3A_44] : memref<1x384x8x64xf32, #tpu.memory_space<vmem>>, vector<1x384x1x64xf32>
    %get3A_46 = vector.shape_cast %get3A_45 : vector<1x384x1x64xf32> to vector<384x64xf32>
    %transpose3A_47 = tpu.transpose %get3A_46, [1, 0] : vector<384x64xf32> -> vector<64x384xf32>
    %get3A_48 = arith.constant 0 : index
    %get3A_49 = arith.constant 0 : index
    %get3A_50 = arith.constant 7 : index
    %get3A_51 = arith.constant 0 : index
    %get3A_52 = vector.load %arg2[%get3A_48, %get3A_49, %get3A_50, %get3A_51] : memref<1x384x8x64xf32, #tpu.memory_space<vmem>>, vector<1x384x1x64xf32>
    %get3A_53 = vector.shape_cast %get3A_52 : vector<1x384x1x64xf32> to vector<384x64xf32>
    %transpose3A_54 = tpu.transpose %get3A_53, [1, 0] : vector<384x64xf32> -> vector<64x384xf32>
    %concatenate3A = tpu.concatenate %transpose3A, %transpose3A_12, %transpose3A_19, %transpose3A_26, %transpose3A_33, %transpose3A_40, %transpose3A_47, %transpose3A_54 in 0 : vector<64x384xf32>, vector<64x384xf32>, vector<64x384xf32>, vector<64x384xf32>, vector<64x384xf32>, vector<64x384xf32>, vector<64x384xf32>, vector<64x384xf32> -> vector<512x384xf32>
    %get3A_55 = arith.constant 0 : index
    %get3A_56 = arith.constant 0 : index
    %get3A_57 = arith.constant 0 : index
    %get3A_58 = arith.constant 0 : index
    %get3A_59 = vector.load %arg3[%get3A_55, %get3A_56, %get3A_57, %get3A_58] : memref<1x384x8x64xf32, #tpu.memory_space<vmem>>, vector<1x384x1x64xf32>
    %get3A_60 = vector.shape_cast %get3A_59 : vector<1x384x1x64xf32> to vector<384x64xf32>
    %transpose3A_61 = tpu.transpose %get3A_60, [1, 0] : vector<384x64xf32> -> vector<64x384xf32>
    %get3A_62 = arith.constant 0 : index
    %get3A_63 = arith.constant 0 : index
    %get3A_64 = arith.constant 1 : index
    %get3A_65 = arith.constant 0 : index
    %get3A_66 = vector.load %arg3[%get3A_62, %get3A_63, %get3A_64, %get3A_65] : memref<1x384x8x64xf32, #tpu.memory_space<vmem>>, vector<1x384x1x64xf32>
    %get3A_67 = vector.shape_cast %get3A_66 : vector<1x384x1x64xf32> to vector<384x64xf32>
    %transpose3A_68 = tpu.transpose %get3A_67, [1, 0] : vector<384x64xf32> -> vector<64x384xf32>
    %get3A_69 = arith.constant 0 : index
    %get3A_70 = arith.constant 0 : index
    %get3A_71 = arith.constant 2 : index
    %get3A_72 = arith.constant 0 : index
    %get3A_73 = vector.load %arg3[%get3A_69, %get3A_70, %get3A_71, %get3A_72] : memref<1x384x8x64xf32, #tpu.memory_space<vmem>>, vector<1x384x1x64xf32>
    %get3A_74 = vector.shape_cast %get3A_73 : vector<1x384x1x64xf32> to vector<384x64xf32>
    %transpose3A_75 = tpu.transpose %get3A_74, [1, 0] : vector<384x64xf32> -> vector<64x384xf32>
    %get3A_76 = arith.constant 0 : index
    %get3A_77 = arith.constant 0 : index
    %get3A_78 = arith.constant 3 : index
    %get3A_79 = arith.constant 0 : index
    %get3A_80 = vector.load %arg3[%get3A_76, %get3A_77, %get3A_78, %get3A_79] : memref<1x384x8x64xf32, #tpu.memory_space<vmem>>, vector<1x384x1x64xf32>
    %get3A_81 = vector.shape_cast %get3A_80 : vector<1x384x1x64xf32> to vector<384x64xf32>
    %transpose3A_82 = tpu.transpose %get3A_81, [1, 0] : vector<384x64xf32> -> vector<64x384xf32>
    %get3A_83 = arith.constant 0 : index
    %get3A_84 = arith.constant 0 : index
    %get3A_85 = arith.constant 4 : index
    %get3A_86 = arith.constant 0 : index
    %get3A_87 = vector.load %arg3[%get3A_83, %get3A_84, %get3A_85, %get3A_86] : memref<1x384x8x64xf32, #tpu.memory_space<vmem>>, vector<1x384x1x64xf32>
    %get3A_88 = vector.shape_cast %get3A_87 : vector<1x384x1x64xf32> to vector<384x64xf32>
    %transpose3A_89 = tpu.transpose %get3A_88, [1, 0] : vector<384x64xf32> -> vector<64x384xf32>
    %get3A_90 = arith.constant 0 : index
    %get3A_91 = arith.constant 0 : index
    %get3A_92 = arith.constant 5 : index
    %get3A_93 = arith.constant 0 : index
    %get3A_94 = vector.load %arg3[%get3A_90, %get3A_91, %get3A_92, %get3A_93] : memref<1x384x8x64xf32, #tpu.memory_space<vmem>>, vector<1x384x1x64xf32>
    %get3A_95 = vector.shape_cast %get3A_94 : vector<1x384x1x64xf32> to vector<384x64xf32>
    %transpose3A_96 = tpu.transpose %get3A_95, [1, 0] : vector<384x64xf32> -> vector<64x384xf32>
    %get3A_97 = arith.constant 0 : index
    %get3A_98 = arith.constant 0 : index
    %get3A_99 = arith.constant 6 : index
    %get3A_100 = arith.constant 0 : index
    %get3A_101 = vector.load %arg3[%get3A_97, %get3A_98, %get3A_99, %get3A_100] : memref<1x384x8x64xf32, #tpu.memory_space<vmem>>, vector<1x384x1x64xf32>
    %get3A_102 = vector.shape_cast %get3A_101 : vector<1x384x1x64xf32> to vector<384x64xf32>
    %transpose3A_103 = tpu.transpose %get3A_102, [1, 0] : vector<384x64xf32> -> vector<64x384xf32>
    %get3A_104 = arith.constant 0 : index
    %get3A_105 = arith.constant 0 : index
    %get3A_106 = arith.constant 7 : index
    %get3A_107 = arith.constant 0 : index
    %get3A_108 = vector.load %arg3[%get3A_104, %get3A_105, %get3A_106, %get3A_107] : memref<1x384x8x64xf32, #tpu.memory_space<vmem>>, vector<1x384x1x64xf32>
    %get3A_109 = vector.shape_cast %get3A_108 : vector<1x384x1x64xf32> to vector<384x64xf32>
    %transpose3A_110 = tpu.transpose %get3A_109, [1, 0] : vector<384x64xf32> -> vector<64x384xf32>
    %concatenate3A_111 = tpu.concatenate %transpose3A_61, %transpose3A_68, %transpose3A_75, %transpose3A_82, %transpose3A_89, %transpose3A_96, %transpose3A_103, %transpose3A_110 in 0 : vector<64x384xf32>, vector<64x384xf32>, vector<64x384xf32>, vector<64x384xf32>, vector<64x384xf32>, vector<64x384xf32>, vector<64x384xf32>, vector<64x384xf32> -> vector<512x384xf32>
    %get3A_112 = arith.constant 0 : index
    %get3A_113 = arith.constant 0 : index
    %get3A_114 = vector.load %arg4[%get3A_112, %get3A_113] : memref<2x384xf32, #tpu.memory_space<vmem>>, vector<2x384xf32>
    %transpose3A_115 = tpu.transpose %get3A_114, [1, 0] : vector<2x384xf32> -> vector<384x2xf32>
    %dot_general3A = arith.constant dense<0.000000e+00> : vector<512x2xf32>
    %dot_general3A_116 = tpu.matmul %concatenate3A, %transpose3A_115, %dot_general3A {dimension_numbers = #tpu.dot_dimension_numbers<[1], [0], [0], [1], [0, 0, 1, 1], [], []>, transpose_lhs_hint = false} : vector<512x384xf32>, vector<384x2xf32>, vector<512x2xf32> -> vector<512x2xf32>
    %get3A_117 = arith.constant 0 : index
    %get3A_118 = arith.constant 0 : index
    %get3A_119 = vector.load %arg5[%get3A_117, %get3A_118] : memref<2x384xf32, #tpu.memory_space<vmem>>, vector<2x384xf32>
    %transpose3A_120 = tpu.transpose %get3A_119, [1, 0] : vector<2x384xf32> -> vector<384x2xf32>
    %dot_general3A_121 = arith.constant dense<0.000000e+00> : vector<512x2xf32>
    %dot_general3A_122 = tpu.matmul %concatenate3A_111, %transpose3A_120, %dot_general3A_121 {dimension_numbers = #tpu.dot_dimension_numbers<[1], [0], [0], [1], [0, 0, 1, 1], [], []>, transpose_lhs_hint = false} : vector<512x384xf32>, vector<384x2xf32>, vector<512x2xf32> -> vector<512x2xf32>
    %concatenate3A_123 = tpu.concatenate %concatenate3A, %dot_general3A_116, %broadcast_in_dim3A_0 in 1 : vector<512x384xf32>, vector<512x2xf32>, vector<512x126xf32> -> vector<512x512xf32>
    %swap3A = arith.constant 0 : index
    %swap3A_124 = arith.constant 0 : index
    %swap3A_125 = arith.constant 0 : index
    %swap3A_126 = vector.load %arg6[%swap3A, %swap3A_124, %swap3A_125] : memref<1x512x512xf32, #tpu.memory_space<vmem>>, vector<1x512x512xf32>
    %swap3A_127 = vector.shape_cast %swap3A_126 : vector<1x512x512xf32> to vector<512x512xf32>
    %swap3A_128 = vector.shape_cast %concatenate3A_123 : vector<512x512xf32> to vector<1x512x512xf32>
    tpu.vector_store %arg6[%swap3A, %swap3A_124, %swap3A_125], %swap3A_128 {strides = array<i32>} : memref<1x512x512xf32, #tpu.memory_space<vmem>>, vector<1x512x512xf32>,
    %concatenate3A_129 = tpu.concatenate %concatenate3A_111, %dot_general3A_122, %broadcast_in_dim3A_0 in 1 : vector<512x384xf32>, vector<512x2xf32>, vector<512x126xf32> -> vector<512x512xf32>
    %swap3A_130 = arith.constant 0 : index
    %swap3A_131 = arith.constant 0 : index
    %swap3A_132 = arith.constant 0 : index
    %swap3A_133 = vector.load %arg7[%swap3A_130, %swap3A_131, %swap3A_132] : memref<1x512x512xf32, #tpu.memory_space<vmem>>, vector<1x512x512xf32>
    %swap3A_134 = vector.shape_cast %swap3A_133 : vector<1x512x512xf32> to vector<512x512xf32>
    %swap3A_135 = vector.shape_cast %concatenate3A_129 : vector<512x512xf32> to vector<1x512x512xf32>
    tpu.vector_store %arg7[%swap3A_130, %swap3A_131, %swap3A_132], %swap3A_135 {strides = array<i32>} : memref<1x512x512xf32, #tpu.memory_space<vmem>>, vector<1x512x512xf32>,
    return
  }
  func.func @transform_0(%arg0: i32, %arg1: i32) -> (i32, i32, i32, i32) {
    %c0_i32 = arith.constant 0 : i32
    %c0_i32_0 = arith.constant 0 : i32
    %c0_i32_1 = arith.constant 0 : i32
    return %arg0, %c0_i32, %arg1, %c0_i32_0 : i32, i32, i32, i32
  }
  func.func @transform_1(%arg0: i32, %arg1: i32) -> (i32, i32, i32, i32) {
    %c0_i32 = arith.constant 0 : i32
    %c0_i32_0 = arith.constant 0 : i32
    %c0_i32_1 = arith.constant 0 : i32
    return %arg0, %c0_i32, %arg1, %c0_i32_0 : i32, i32, i32, i32
  }
  func.func @transform_2(%arg0: i32, %arg1: i32) -> (i32, i32) {
    %c0_i32 = arith.constant 0 : i32
    %c0_i32_0 = arith.constant 0 : i32
    %c0_i32_1 = arith.constant 0 : i32
    return %c0_i32, %c0_i32_0 : i32, i32
  }
  func.func @transform_3(%arg0: i32, %arg1: i32) -> (i32, i32) {
    %c0_i32 = arith.constant 0 : i32
    %c0_i32_0 = arith.constant 0 : i32
    %c0_i32_1 = arith.constant 0 : i32
    return %c0_i32, %c0_i32_0 : i32, i32
  }
  func.func @transform_4(%arg0: i32, %arg1: i32) -> (i32, i32, i32) {
    %c0_i32 = arith.constant 0 : i32
    %c0_i32_0 = arith.constant 0 : i32
    return %arg0, %arg1, %c0_i32 : i32, i32, i32
  }
  func.func @transform_5(%arg0: i32, %arg1: i32) -> (i32, i32, i32) {
    %c0_i32 = arith.constant 0 : i32
    %c0_i32_0 = arith.constant 0 : i32
    return %arg0, %arg1, %c0_i32 : i32, i32, i32
  }
}

module attributes {stable_mosaic.version = 14 : i64} {
  func.func @_tr_body(%arg0: i32, %arg1: i32, %arg2: memref<1x512x384xf32, #tpu.memory_space<vmem>>, %arg3: memref<1x384x8x64xf32, #tpu.memory_space<vmem>>) attributes {dimension_semantics = [#tpu.dimension_semantics<arbitrary>, #tpu.dimension_semantics<arbitrary>], iteration_bounds = array<i64: 4, 8>, scalar_prefetch = 0 : i64, scratch_operands = 0 : i64, tpu.core_type = #tpu.core_type<tc>, window_params = [{transform_indices = @transform_0, window_bounds = array<i64: 1, 512, 384>}, {transform_indices = @transform_1, window_bounds = array<i64: 1, 384, 8, 64>}]} {
    %get3A = arith.constant 0 : index
    %get3A_0 = arith.constant 0 : index
    %get3A_1 = arith.constant 0 : index
    %get3A_2 = vector.load %arg2[%get3A, %get3A_0, %get3A_1] : memref<1x512x384xf32, #tpu.memory_space<vmem>>, vector<1x64x384xf32>
    %get3A_3 = vector.shape_cast %get3A_2 : vector<1x64x384xf32> to vector<64x384xf32>
    %transpose3A = tpu.transpose %get3A_3, [1, 0] : vector<64x384xf32> -> vector<384x64xf32>
    %swap3A = arith.constant 0 : index
    %swap3A_4 = arith.constant 0 : index
    %swap3A_5 = arith.constant 0 : index
    %swap3A_6 = arith.constant 0 : index
    %swap3A_7 = vector.load %arg3[%swap3A, %swap3A_4, %swap3A_5, %swap3A_6] : memref<1x384x8x64xf32, #tpu.memory_space<vmem>>, vector<1x384x1x64xf32>
    %swap3A_8 = vector.shape_cast %swap3A_7 : vector<1x384x1x64xf32> to vector<384x64xf32>
    %swap3A_9 = vector.shape_cast %transpose3A : vector<384x64xf32> to vector<1x384x1x64xf32>
    tpu.vector_store %arg3[%swap3A, %swap3A_4, %swap3A_5, %swap3A_6], %swap3A_9 {strides = array<i32>} : memref<1x384x8x64xf32, #tpu.memory_space<vmem>>, vector<1x384x1x64xf32>,
    %get3A_10 = arith.constant 0 : index
    %get3A_11 = arith.constant 64 : index
    %get3A_12 = arith.constant 0 : index
    %get3A_13 = vector.load %arg2[%get3A_10, %get3A_11, %get3A_12] : memref<1x512x384xf32, #tpu.memory_space<vmem>>, vector<1x64x384xf32>
    %get3A_14 = vector.shape_cast %get3A_13 : vector<1x64x384xf32> to vector<64x384xf32>
    %transpose3A_15 = tpu.transpose %get3A_14, [1, 0] : vector<64x384xf32> -> vector<384x64xf32>
    %swap3A_16 = arith.constant 0 : index
    %swap3A_17 = arith.constant 0 : index
    %swap3A_18 = arith.constant 1 : index
    %swap3A_19 = arith.constant 0 : index
    %swap3A_20 = vector.load %arg3[%swap3A_16, %swap3A_17, %swap3A_18, %swap3A_19] : memref<1x384x8x64xf32, #tpu.memory_space<vmem>>, vector<1x384x1x64xf32>
    %swap3A_21 = vector.shape_cast %swap3A_20 : vector<1x384x1x64xf32> to vector<384x64xf32>
    %swap3A_22 = vector.shape_cast %transpose3A_15 : vector<384x64xf32> to vector<1x384x1x64xf32>
    tpu.vector_store %arg3[%swap3A_16, %swap3A_17, %swap3A_18, %swap3A_19], %swap3A_22 {strides = array<i32>} : memref<1x384x8x64xf32, #tpu.memory_space<vmem>>, vector<1x384x1x64xf32>,
    %get3A_23 = arith.constant 0 : index
    %get3A_24 = arith.constant 128 : index
    %get3A_25 = arith.constant 0 : index
    %get3A_26 = vector.load %arg2[%get3A_23, %get3A_24, %get3A_25] : memref<1x512x384xf32, #tpu.memory_space<vmem>>, vector<1x64x384xf32>
    %get3A_27 = vector.shape_cast %get3A_26 : vector<1x64x384xf32> to vector<64x384xf32>
    %transpose3A_28 = tpu.transpose %get3A_27, [1, 0] : vector<64x384xf32> -> vector<384x64xf32>
    %swap3A_29 = arith.constant 0 : index
    %swap3A_30 = arith.constant 0 : index
    %swap3A_31 = arith.constant 2 : index
    %swap3A_32 = arith.constant 0 : index
    %swap3A_33 = vector.load %arg3[%swap3A_29, %swap3A_30, %swap3A_31, %swap3A_32] : memref<1x384x8x64xf32, #tpu.memory_space<vmem>>, vector<1x384x1x64xf32>
    %swap3A_34 = vector.shape_cast %swap3A_33 : vector<1x384x1x64xf32> to vector<384x64xf32>
    %swap3A_35 = vector.shape_cast %transpose3A_28 : vector<384x64xf32> to vector<1x384x1x64xf32>
    tpu.vector_store %arg3[%swap3A_29, %swap3A_30, %swap3A_31, %swap3A_32], %swap3A_35 {strides = array<i32>} : memref<1x384x8x64xf32, #tpu.memory_space<vmem>>, vector<1x384x1x64xf32>,
    %get3A_36 = arith.constant 0 : index
    %get3A_37 = arith.constant 192 : index
    %get3A_38 = arith.constant 0 : index
    %get3A_39 = vector.load %arg2[%get3A_36, %get3A_37, %get3A_38] : memref<1x512x384xf32, #tpu.memory_space<vmem>>, vector<1x64x384xf32>
    %get3A_40 = vector.shape_cast %get3A_39 : vector<1x64x384xf32> to vector<64x384xf32>
    %transpose3A_41 = tpu.transpose %get3A_40, [1, 0] : vector<64x384xf32> -> vector<384x64xf32>
    %swap3A_42 = arith.constant 0 : index
    %swap3A_43 = arith.constant 0 : index
    %swap3A_44 = arith.constant 3 : index
    %swap3A_45 = arith.constant 0 : index
    %swap3A_46 = vector.load %arg3[%swap3A_42, %swap3A_43, %swap3A_44, %swap3A_45] : memref<1x384x8x64xf32, #tpu.memory_space<vmem>>, vector<1x384x1x64xf32>
    %swap3A_47 = vector.shape_cast %swap3A_46 : vector<1x384x1x64xf32> to vector<384x64xf32>
    %swap3A_48 = vector.shape_cast %transpose3A_41 : vector<384x64xf32> to vector<1x384x1x64xf32>
    tpu.vector_store %arg3[%swap3A_42, %swap3A_43, %swap3A_44, %swap3A_45], %swap3A_48 {strides = array<i32>} : memref<1x384x8x64xf32, #tpu.memory_space<vmem>>, vector<1x384x1x64xf32>,
    %get3A_49 = arith.constant 0 : index
    %get3A_50 = arith.constant 256 : index
    %get3A_51 = arith.constant 0 : index
    %get3A_52 = vector.load %arg2[%get3A_49, %get3A_50, %get3A_51] : memref<1x512x384xf32, #tpu.memory_space<vmem>>, vector<1x64x384xf32>
    %get3A_53 = vector.shape_cast %get3A_52 : vector<1x64x384xf32> to vector<64x384xf32>
    %transpose3A_54 = tpu.transpose %get3A_53, [1, 0] : vector<64x384xf32> -> vector<384x64xf32>
    %swap3A_55 = arith.constant 0 : index
    %swap3A_56 = arith.constant 0 : index
    %swap3A_57 = arith.constant 4 : index
    %swap3A_58 = arith.constant 0 : index
    %swap3A_59 = vector.load %arg3[%swap3A_55, %swap3A_56, %swap3A_57, %swap3A_58] : memref<1x384x8x64xf32, #tpu.memory_space<vmem>>, vector<1x384x1x64xf32>
    %swap3A_60 = vector.shape_cast %swap3A_59 : vector<1x384x1x64xf32> to vector<384x64xf32>
    %swap3A_61 = vector.shape_cast %transpose3A_54 : vector<384x64xf32> to vector<1x384x1x64xf32>
    tpu.vector_store %arg3[%swap3A_55, %swap3A_56, %swap3A_57, %swap3A_58], %swap3A_61 {strides = array<i32>} : memref<1x384x8x64xf32, #tpu.memory_space<vmem>>, vector<1x384x1x64xf32>,
    %get3A_62 = arith.constant 0 : index
    %get3A_63 = arith.constant 320 : index
    %get3A_64 = arith.constant 0 : index
    %get3A_65 = vector.load %arg2[%get3A_62, %get3A_63, %get3A_64] : memref<1x512x384xf32, #tpu.memory_space<vmem>>, vector<1x64x384xf32>
    %get3A_66 = vector.shape_cast %get3A_65 : vector<1x64x384xf32> to vector<64x384xf32>
    %transpose3A_67 = tpu.transpose %get3A_66, [1, 0] : vector<64x384xf32> -> vector<384x64xf32>
    %swap3A_68 = arith.constant 0 : index
    %swap3A_69 = arith.constant 0 : index
    %swap3A_70 = arith.constant 5 : index
    %swap3A_71 = arith.constant 0 : index
    %swap3A_72 = vector.load %arg3[%swap3A_68, %swap3A_69, %swap3A_70, %swap3A_71] : memref<1x384x8x64xf32, #tpu.memory_space<vmem>>, vector<1x384x1x64xf32>
    %swap3A_73 = vector.shape_cast %swap3A_72 : vector<1x384x1x64xf32> to vector<384x64xf32>
    %swap3A_74 = vector.shape_cast %transpose3A_67 : vector<384x64xf32> to vector<1x384x1x64xf32>
    tpu.vector_store %arg3[%swap3A_68, %swap3A_69, %swap3A_70, %swap3A_71], %swap3A_74 {strides = array<i32>} : memref<1x384x8x64xf32, #tpu.memory_space<vmem>>, vector<1x384x1x64xf32>,
    %get3A_75 = arith.constant 0 : index
    %get3A_76 = arith.constant 384 : index
    %get3A_77 = arith.constant 0 : index
    %get3A_78 = vector.load %arg2[%get3A_75, %get3A_76, %get3A_77] : memref<1x512x384xf32, #tpu.memory_space<vmem>>, vector<1x64x384xf32>
    %get3A_79 = vector.shape_cast %get3A_78 : vector<1x64x384xf32> to vector<64x384xf32>
    %transpose3A_80 = tpu.transpose %get3A_79, [1, 0] : vector<64x384xf32> -> vector<384x64xf32>
    %swap3A_81 = arith.constant 0 : index
    %swap3A_82 = arith.constant 0 : index
    %swap3A_83 = arith.constant 6 : index
    %swap3A_84 = arith.constant 0 : index
    %swap3A_85 = vector.load %arg3[%swap3A_81, %swap3A_82, %swap3A_83, %swap3A_84] : memref<1x384x8x64xf32, #tpu.memory_space<vmem>>, vector<1x384x1x64xf32>
    %swap3A_86 = vector.shape_cast %swap3A_85 : vector<1x384x1x64xf32> to vector<384x64xf32>
    %swap3A_87 = vector.shape_cast %transpose3A_80 : vector<384x64xf32> to vector<1x384x1x64xf32>
    tpu.vector_store %arg3[%swap3A_81, %swap3A_82, %swap3A_83, %swap3A_84], %swap3A_87 {strides = array<i32>} : memref<1x384x8x64xf32, #tpu.memory_space<vmem>>, vector<1x384x1x64xf32>,
    %get3A_88 = arith.constant 0 : index
    %get3A_89 = arith.constant 448 : index
    %get3A_90 = arith.constant 0 : index
    %get3A_91 = vector.load %arg2[%get3A_88, %get3A_89, %get3A_90] : memref<1x512x384xf32, #tpu.memory_space<vmem>>, vector<1x64x384xf32>
    %get3A_92 = vector.shape_cast %get3A_91 : vector<1x64x384xf32> to vector<64x384xf32>
    %transpose3A_93 = tpu.transpose %get3A_92, [1, 0] : vector<64x384xf32> -> vector<384x64xf32>
    %swap3A_94 = arith.constant 0 : index
    %swap3A_95 = arith.constant 0 : index
    %swap3A_96 = arith.constant 7 : index
    %swap3A_97 = arith.constant 0 : index
    %swap3A_98 = vector.load %arg3[%swap3A_94, %swap3A_95, %swap3A_96, %swap3A_97] : memref<1x384x8x64xf32, #tpu.memory_space<vmem>>, vector<1x384x1x64xf32>
    %swap3A_99 = vector.shape_cast %swap3A_98 : vector<1x384x1x64xf32> to vector<384x64xf32>
    %swap3A_100 = vector.shape_cast %transpose3A_93 : vector<384x64xf32> to vector<1x384x1x64xf32>
    tpu.vector_store %arg3[%swap3A_94, %swap3A_95, %swap3A_96, %swap3A_97], %swap3A_100 {strides = array<i32>} : memref<1x384x8x64xf32, #tpu.memory_space<vmem>>, vector<1x384x1x64xf32>,
    return
  }
  func.func @transform_0(%arg0: i32, %arg1: i32) -> (i32, i32, i32) {
    %c0_i32 = arith.constant 0 : i32
    %c0_i32_0 = arith.constant 0 : i32
    return %arg0, %arg1, %c0_i32 : i32, i32, i32
  }
  func.func @transform_1(%arg0: i32, %arg1: i32) -> (i32, i32, i32, i32) {
    %c0_i32 = arith.constant 0 : i32
    %c0_i32_0 = arith.constant 0 : i32
    %c0_i32_1 = arith.constant 0 : i32
    return %arg0, %c0_i32, %arg1, %c0_i32_0 : i32, i32, i32, i32
  }
}

</mosaic_0001>

<sc_bundles>
// kernel: kernel.6.cloned.1.call-start
scs
__scs_entry_jumppad:
0x0: {  	(pc) =	sbr.rel $0x88, $3  }
0x1: {  	(tag) =	ssettag $0x0;
	lr =	simm.s32 $0x1  }
0x2: {  	[smem:$0x3F99] =	sst lr;
	_ =	strace $0xD0000000  }
0x3: {  	_ = 	snop  }
0x4: {  	_ = 	snop  }
0x5: {  	_ = 	snop  }
0x6: {  	_ = 	snop  }
0x7: {  	_ = 	snop  }
__scs_overlays_trampoline_lowered:
0x8: {  	[smem:$0x3FA8] =	sst s0  }
0x9: {  	[smem:$0x3FA9] =	sst s1  }
0xa: {  	[smem:$0x3FAA] =	sst s2  }
0xb: {  	[smem:$0x3FAB] =	sst s3  }
0xc: {  	[smem:$0x3FAC] =	sst s4  }
0xd: {  	[smem:$0x3FAD] =	sst s5  }
0xe: {  	[smem:$0x3FAE] =	sst s6  }
0xf: {  	[smem:$0x3FAF] =	sst s7  }
0x10: {  	[smem:$0x3FB0] =	sst s8  }
0x11: {  	[smem:$0x3FB1] =	sst s9;
	s0 =	simm.s32 @!p0 $0x0  }
0x12: {  	s1 =	sld [smem:$0x3F97];
	s0 =	simm.s32 @p0 $0x1  }
0x13: {  	[smem:$0x3FB2] =	sst s0;
	s0 =	simm.s32 @!p1 $0x0  }
0x14: {  	s2 =	sld [smem:$0x3F96];
	s0 =	simm.s32 @p1 $0x1  }
0x15: {  	[smem:$0x3FB3] =	sst s0;
	s0 =	simm.s32 @!p2 $0x0  }
0x16: {  	s3 =	sld [smem:$0x3FDB];
	s0 =	simm.s32 @p2 $0x1  }
0x17: {  	s4 =	simm.s32 $0x1BF5;
	[smem:$0x3FB5] =	sst s0  }
0x18: {  	s0 =	sld [smem:$0x3F98];
	_ =	swait.ge [sflag:s4], $0x0  }
0x19: {  	s7 =	sld [smem:$0x3F99]  }
0x1a: {  	s8 =	sadd.s32 $0xFFFFE003, lr  }
0x1b: {  	s9 =	sadd.s32 $0xFFFFFEF7, lr;
	s5 =	simm.s32 $0xFFFFFFFF;
	p2 =	slt.u32 s8, $0xFFFFF086  }
0x1c: {  	p1 =	slt.u32 s9, $0xF7A;
	s5 =	simm.s32 @!p2 $0x0  }
0x1d: {  	s5 =	simm.s32 @p1 $0x1;
	p0 =	seq.s32 s7, s2  }
0x1e: {  	s7 =	smul.u32 @!p0 $0xF7A, s2;
	p2 =	seq.s32 @!p0 s5, $0x0  }
0x1f: {  	s9 =	smul.u32 $0xF7A, s1;
	s8 =	simm.s32 @!p0 $0x1BF5;
	p2 =	por !p2, p0  }
0x20: {  	[sflag:s8] =	ssyncset.s32 @!p0 $0xFFFFF086;
	s6 =	sadd.s32 @!p0 s3, s7;
	s7 =	simm.s32 @!p0 $0x108  }
0x21: {  	s3 =	sadd.s32 s3, s9;
	s6 =	sadd.s32 @!p0 $0x88, s6;
	s7 =	simm.s32 @p2 $0x1082  }
0x22: {  	[simem:s7], [sflag:s8] =	dma.local @!p0 [hbm:s6], $0xF7A  }
0x23: {  	s9 =	sor.u32 $0xD0000000, s2;
	s6 =	simm.s32 $0x108;
	_ =	swait.ge @!p0 [sflag:s8], $0x0  }
0x24: {  	s3 =	sadd.s32 $0x88, s3;
	s6 =	simm.s32 @!p1 $0x1082;
	[sflag:s4] =	ssyncset.s32 $0xFFFFF086  }
0x25: {  	[simem:s6], [sflag:s4] =	dma.local [hbm:s3], $0xF7A  }
0x26: {  	[smem:$0x3F99] =	sst s1;
	(tag) =	ssettag s2;
	_ =	strace s9  }
0x27: {  	s1 =	sld [smem:$0x3FA9]  }
0x28: {  	s2 =	sld [smem:$0x3FAA]  }
0x29: {  	s4 =	sld [smem:$0x3FAC]  }
0x2a: {  	p0 =	seq.s32 s5, $0x0;
	s5 =	sld [smem:$0x3FAD]  }
0x2b: {  	s6 =	sld [smem:$0x3FAE]  }
0x2c: {  	s7 =	sld [smem:$0x3FAF]  }
0x2d: {  	s3 =	simm.s32 $0x108;
	s8 =	sld [smem:$0x3FB0]  }
0x2e: {  	s3 =	simm.s32 @!p0 $0x1082;
	s9 =	sld [smem:$0x3FB1]  }
0x2f: {  	lr =	sadd.s32 s0, s3;
	s0 =	sld [smem:$0x3FA8]  }
0x30: {  	s3 =	sld [smem:$0x3FAB]  }
0x31: {  	[smem:$0x3FB4] =	sst s10  }
0x32: {  	s10 =	sld [smem:$0x3FB2];
	_ =	sdelay $0x3  }
0x33: {  	p0 =	seq.s32 s10, $0x1;
	s10 =	sld [smem:$0x3FB4];
	_ =	sdelay $0x3  }
0x34: {  	[smem:$0x3FB4] =	sst s10  }
0x35: {  	s10 =	sld [smem:$0x3FB3];
	_ =	sdelay $0x3  }
0x36: {  	p1 =	seq.s32 s10, $0x1;
	s10 =	sld [smem:$0x3FB4];
	_ =	sdelay $0x3  }
0x37: {  	[smem:$0x3FB4] =	sst s10  }
0x38: {  	s10 =	sld [smem:$0x3FB5]  }
0x39: {  	_ = 	snop;
	(pc) =	sbr.ind lr, $3  }
0x3a: {  	_ = 	snop  }
0x3b: {  	_ = 	snop  }
0x3c: {  	p2 =	seq.s32 s10, $0x1;
	s10 =	sld [smem:$0x3FB4]  }
0x3d: {  	_ =	shalt  }
0x3e: {  	_ =	shalt  }
0x3f: {  	_ =	shalt  }
0x40: {  	_ =	shalt  }
0x41: {  	_ =	shalt  }
0x42: {  	_ =	shalt  }
0x43: {  	_ =	shalt  }
0x44: {  	_ =	shalt  }
0x45: {  	_ =	shalt  }
0x46: {  	_ =	shalt  }
0x47: {  	_ =	shalt  }
0x48: {  	_ =	shalt  }
0x49: {  	_ =	shalt  }
0x4a: {  	_ =	shalt  }
0x4b: {  	_ =	shalt  }
0x4c: {  	_ =	shalt  }
0x4d: {  	_ =	shalt  }
0x4e: {  	_ =	shalt  }
0x4f: {  	_ =	shalt  }
0x50: {  	_ =	shalt  }
0x51: {  	_ =	shalt  }
0x52: {  	_ =	shalt  }
0x53: {  	_ =	shalt  }
0x54: {  	_ =	shalt  }
0x55: {  	_ =	shalt  }
0x56: {  	_ =	shalt  }
0x57: {  	_ =	shalt  }
0x58: {  	_ =	shalt  }
0x59: {  	_ =	shalt  }
0x5a: {  	_ =	shalt  }
0x5b: {  	_ =	shalt  }
0x5c: {  	_ =	shalt  }
0x5d: {  	_ =	shalt  }
0x5e: {  	_ =	shalt  }
0x5f: {  	_ =	shalt  }
0x60: {  	_ =	shalt  }
0x61: {  	_ =	shalt  }
0x62: {  	_ =	shalt  }
0x63: {  	_ =	shalt  }
0x64: {  	_ =	shalt  }
0x65: {  	_ =	shalt  }
0x66: {  	_ =	shalt  }
0x67: {  	_ =	shalt  }
0x68: {  	_ =	shalt  }
0x69: {  	_ =	shalt  }
0x6a: {  	_ =	shalt  }
0x6b: {  	_ =	shalt  }
0x6c: {  	_ =	shalt  }
0x6d: {  	_ =	shalt  }
0x6e: {  	_ =	shalt  }
0x6f: {  	_ =	shalt  }
0x70: {  	_ =	shalt  }
0x71: {  	_ =	shalt  }
0x72: {  	_ =	shalt  }
0x73: {  	_ =	shalt  }
0x74: {  	_ =	shalt  }
0x75: {  	_ =	shalt  }
0x76: {  	_ =	shalt  }
0x77: {  	_ =	shalt  }
0x78: {  	_ =	shalt  }
0x79: {  	_ =	shalt  }
0x7a: {  	_ =	shalt  }
0x7b: {  	_ =	shalt  }
0x7c: {  	_ =	shalt  }
0x7d: {  	_ =	shalt  }
0x7e: {  	_ =	shalt  }
0x7f: {  	_ =	shalt  }
0x80: {  	_ =	shalt  }
0x81: {  	_ =	shalt  }
0x82: {  	_ =	shalt  }
0x83: {  	_ =	shalt  }
0x84: {  	_ =	shalt  }
0x85: {  	_ =	shalt  }
0x86: {  	_ =	shalt  }
0x87: {  	_ =	shalt  }
.Lfunc_end0:
.L_simem_size_0:
called_computation_lowered:
.L_overlay_start_0:
0x88: {  	s2 =	sld [smem:$0x3FD9]  }
0x89: {  	s3 =	sld [smem:$0x3FFE];
	_ =	sdelay $0x1  }
0x8a: {  	s1 =	srdreg.scid  }
0x8b: {  	s0 =	sand.u32 $0x1, s1  }
0x8c: {  	s17 =	sshll.u32 s0, $0xA;
	s2 =	sadd.s32 s3, s2  }
0x8d: {  	s2 =	sadd.s32 s2, s17  }
0x8e: {  	[smem:$0x3FC0] =	sst s2  }
0x8f: {  	_ = 	snop  }
0x90: {  	s2 =	sld [smem:$0x3FD0];
	(tm) =	ssettm $0x1  }
0x91: {  	s18 =	sld [smem:$0x3FFB];
	_ =	sdelay $0x3  }
0x92: {  	_ =	strace s18  }
0x93: {  	s3 =	sld [smem:$0x3FFC];
	_ =	sdelay $0x3  }
0x94: {  	_ =	strace s3  }
0x95: {  	s3 =	sld [smem:$0x3FFD];
	_ =	sdelay $0x3  }
0x96: {  	_ =	strace s3  }
0x97: {  	_ =	strace $0x8FFFFFFF  }
0x98: {  	s19 =	sld [smem:$0x3FDB];
	_ =	sdelay $0x1  }
0x99: {  	s4 =	simm.s32 $_scs_section_size  }
0x9a: {  	s5 =	simm.s32 $_size__tile_overlayer_lowered;
	s6 =	simm.s32 $_tile_overlayer_lowered  }
0x9b: {  	s22 =	simm.s32 $0x1BFF;
	s21 =	sshll.u32 s6, $0x1;
	s3 =	sadd.s32 s4, s19  }
0x9c: {  	s7 =	simm.s32 $0x0;
	s20 =	sshll.u32 s5, $0x1;
	s5 =	sadd.s32 s21, s3  }
0x9d: {  	[timem:s7], [sflag:s22] =	dma.local [hbm:s5], s20  }
0x9e: {  	_ =	swait.ge [sflag:s22], s20  }
0x9f: {  	s4 =	ssub.s32 $0x0, s20;
	[sflag:s22] =	ssyncset.done $0x0  }
0xa0: {  	[sflag:s22] =	ssyncadd.s32 s4;
	_ =	sdelay $0x1  }
0xa1: {  	s23 =	simm.s32 $0x1B8B  }
0xa2: {  	_ =	swait.ge [sflag:s23], $0x1  }
0xa3: {  	[sflag:s23] =	ssyncset.done $0x0  }
0xa4: {  	s25 =	simm.s32 $0x1B8E;
	s24 =	sld [smem:$0x3FFE];
	[sflag:s23] =	ssyncadd.s32 $0xFFFFFFFF  }
0xa5: {  	s26 =	simm.s32 $execute0_lowered;
	[smem:$0x3FD2] =	sst s25  }
0xa6: {  	s5 =	sshll.u32 s26, $0x1;
	_ =	strace $0x80000046;
	[dreg:$0x1] =	wrdreg $0xFFFFFFFF  }
0xa7: {  	s28 =	simm.s32 $_size_execute0_lowered;
	s3 =	sadd.s32 s3, s5;
	[dreg:$0x0] =	wrdreg $0x0  }
0xa8: {  	s5 =	sshll.u32 s28, $0x1;
	[dreg:$0x2] =	wrdreg s3  }
0xa9: {  	[dreg:$0x3] =	wrdreg s5  }
0xaa: {  	[dreg:$0x4] =	wrdreg $0xC0  }
0xab: {  	_ =	task [dreg:s7], $0x5FFFF  }
0xac: {  	[dreg:$0x1] =	wrdreg $0xFFFFFFFF  }
0xad: {  	[dreg:$0x0] =	wrdreg $0x60  }
0xae: {  	[dreg:$0x2] =	wrdreg s24  }
0xaf: {  	[dreg:$0x3] =	wrdreg s2  }
0xb0: {  	[dreg:$0x4] =	wrdreg $0x9  }
0xb1: {  	_ =	task.clear_ibuf [dreg:s7], $0x5FFFF;
	_ =	strace $0x90000046  }
0xb2: {  	s29 =	simm.s32 $0x9;
	_ =	strace $0x80000048  }
0xb3: {  	_ =	swait.ge [sflag:s29], $0x1  }
0xb4: {  	[sflag:s29] =	ssyncadd.s32 $0xFFFFFFFF  }
0xb5: {  	_ =	strace $0x90000048  }
0xb6: {  	_ =	sfence  }
0xb7: {  	s30 =	sld [smem:$0x0];
	_ =	sdelay $0x2  }
0xb8: {  	s31 =	sshll.u32 s1, $0xD;
	s1 =	sshrl.u32 s1, $0x2  }
0xb9: {  	s3 =	sand.u32 $0x4000, s31;
	s1 =	sadd.s32 s1, s30  }
0xba: {  	s0 =	sor.u32 s3, s0;
	s1 =	sshll.u32 s1, $0x11  }
0xbb: {  	s0 =	sor.u32 s1, s0  }
0xbc: {  	s0 =	sadd.s32 $0x8F2B, s0  }
0xbd: {  	[sflag:s0] =	ssyncadd.remote.s32 $0x1  }
0xbe: {  	_ =	sfence.sel $0xFFFF  }
0xbf: {  	[dreg:$0x0] =	wrdreg $0xFFFFFFFF;
	(pc) =	sbr.abs _section_cstart, $3  }
0xc0: {  	[dreg:$0x1] =	wrdreg $0xFFFFFFFF  }
0xc1: {  	_ =	task.clear_ibuf [dreg:s7], $0x2FFFF;
	_ =	strace $0x9FFFFFFF  }
0xc2: {  	(tm) =	ssettm $0x7FFFFFFF  }
0xc3: {  	_ =	shalt  }
tec
execute0_lowered:
.L_overlay_start_1:
0x0: {  	(tag) =	ssettag $0x1  }
0x1: {  	s0 =	rddreg [dreg:$0x0]  }
0x2: {  	s1 =	simm.s32 $0x0;
	s26 =	srdreg.scid;
	s9 =	stileid.u32  }
0x3: {  	s15 =	simm.s32 $0x3;
	s22 =	simm.s32 $0xDA00;
	s23 =	simm.s32 $0xE200  }
0x4: {  	s24 =	simm.s32 $0xEA00;
	s25 =	simm.s32 $0xF200;
	s28 =	simm.s32 $0x1  }
0x5: {  	s30 =	simm.s32 $0x10200;
	[smem:$0x7FF] =	sst s1;
	s3 =	sadd.s32 $0x303E00, s0  }
0x6: {  	s29 =	simm.s32 $0x2;
	s4 =	sadd.s32 $0x403E00, s0;
	s6 =	sadd.s32 $0x302600, s0  }
0x7: {  	s7 =	sadd.s32 $0x302E00, s0;
	s1 =	sand.u32 $0x1, s26;
	s8 =	sadd.s32 $0x303600, s0  }
0x8: {  	s9 =	sshll.u32 s9, $0x7;
	s10 =	sadd.s32 $0x302000, s0;
	s2 =	ssub.s32 $0x2, s1  }
0x9: {  	s11 =	sadd.s32 $0x303F00, s0;
	s12 =	sadd.s32 $0x403F00, s0;
	s5 =	sshrl.u32 s2, $0x1  }
0xa: {  	v2 =	vlaneseq.u32;
	s26 =	simm.s32 $0xFA00;
	_ =	strace $0x80000047;
	s2 =	ssub.s32 s2, s5  }
0xb: {  	vm0 =	vmmov $0xffff;
	v1 =	vshrl.u32 v2, $0x3;
	s1 =	sshll.u32 s1, $0x6;
	[dreg:$0x3] =	wrdreg s10;
	s31 =	smax.u32 s2, $0x1  }
0xc: {  	v0 =	vand.u32 $0x7, v2;
	v2 =	vor.u32 $0x8, v2;
	v1 =	vmul.u32 $0x8, v1;
	s10 =	sor.u32 s1, s9;
	s1 =	simm.s32 $0x0;
	[dreg:$0x4] =	wrdreg s31  }
.LBB2_1:
0xd: {  	[dreg:$0x5] =	wrdreg s1  }
0xe: {  	s0 =	simm.s32 $0x0;
	s21 =	rddreg [dreg:$0x3];
	s2 =	simm.s32 $0x180  }
0xf: {  	[tilespmem:s2], [sflag:$0x3] =	stream.linear.gather [hbm4b:s21+s0], $0x80, $0x38;
	[tilespmem:$0x16200] =	vst v63  }
0x10: {  	_ =	swait.ge [sflag:s15], $0x80  }
0x11: {  	[sflag:s15] =	ssyncset.done $0x0  }
0x12: {  	s31 =	simm.s32 $0x0;
	[sflag:s15] =	ssyncadd.s32 $0xFFFFFF80  }
.LBB2_2:
0x13: {  	s0 =	sshll.u32 s31, $0x3  }
0x14: {  	s0 =	sadd.s32 s10, s0  }
0x15: {  	s5 =	simm.s32 $0x0;
	s1 =	sadd.s32 s6, s0  }
0x16: {  	[tilespmem:s5], [sflag:$0x3] =	stream.linear.gather [hbm4b:s1+s5], $0x40, $0x38;
	[tilespmem:$0x16200] =	vst v63  }
0x17: {  	_ =	swait.ge [sflag:s15], $0x40  }
0x18: {  	[sflag:s15] =	ssyncset.done $0x0  }
0x19: {  	s2 =	simm.s32 $0x80;
	s20 =	sadd.s32 s7, s0;
	[sflag:s15] =	ssyncadd.s32 $0xFFFFFFC0  }
0x1a: {  	[tilespmem:s2], [sflag:$0x3] =	stream.linear.gather [hbm4b:s20+s5], $0x40, $0x38;
	[tilespmem:$0x16200] =	vst v63  }
0x1b: {  	_ =	swait.ge [sflag:s15], $0x40  }
0x1c: {  	[sflag:s15] =	ssyncset.done $0x0  }
0x1d: {  	s14 =	simm.s32 $0x100;
	s21 =	sadd.s32 s8, s0;
	[sflag:s15] =	ssyncadd.s32 $0xFFFFFFC0  }
0x1e: {  	[tilespmem:s14], [sflag:$0x3] =	stream.linear.gather [hbm4b:s21+s5], $0x40, $0x38;
	[tilespmem:$0x16200] =	vst v63  }
0x1f: {  	_ =	swait.ge [sflag:s15], $0x40  }
0x20: {  	[sflag:s15] =	ssyncset.done $0x0  }
0x21: {  	[sflag:s15] =	ssyncadd.s32 $0xFFFFFFC0  }
0x22: {  	v3 =	vld [tilespmem:$0x0];
	_ =	sdelay $0x4  }
0x23: {  	v4 =	vshll.u32 v3, $0x2  }
0x24: {  	v3 =	vand.u32 $0x7, v3;
	v4 =	vand.u32 $0xFFFFFFE0, v4  }
0x25: {  	v3 =	vor.u32 v3, v4  }
0x26: {  	v4 =	vperm.xlane v3, v0;
	_ =	sdelay $0x1  }
0x27: {  	v4 =	vadd.s32 v1, v4;
	_ =	sdelay $0x1  }
0x28: {  	v3 =	vperm.xlane v3, v2;
	_ =	sdelay $0x1  }
0x29: {  	s2 =	simm.s32 $0x200;
	v3 =	vadd.s32 v1, v3  }
0x2a: {  	[tilespmem:s2], [sflag:$0x1] =	stream.indirect_vreg.gather [hbm4b:s3+s5], $0x80, v4, vm0, $0xb8;
	[tilespmem:$0x16200] =	vst v63  }
0x2b: {  	s9 =	simm.s32 $0xA00  }
0x2c: {  	[tilespmem:s9], [sflag:$0x1] =	stream.indirect_vreg.gather [hbm4b:s11+s5], $0x80, v4, vm0, $0xb8;
	[tilespmem:$0x16200] =	vst v63  }
0x2d: {  	s13 =	simm.s32 $0x1200  }
0x2e: {  	[tilespmem:s13], [sflag:$0x1] =	stream.indirect_vreg.gather [hbm4b:s3+s5], $0x80, v3, vm0, $0xb8;
	[tilespmem:$0x16200] =	vst v63  }
0x2f: {  	s16 =	simm.s32 $0x1A00  }
0x30: {  	[tilespmem:s16], [sflag:$0x1] =	stream.indirect_vreg.gather [hbm4b:s11+s5], $0x80, v3, vm0, $0xb8;
	[tilespmem:$0x16200] =	vst v63  }
0x31: {  	v3 =	vld [tilespmem:$0x10];
	_ =	sdelay $0x4  }
0x32: {  	v57 =	vshll.u32 v3, $0x2  }
0x33: {  	v3 =	vand.u32 $0x7, v3;
	v4 =	vand.u32 $0xFFFFFFE0, v57  }
0x34: {  	v3 =	vor.u32 v3, v4  }
0x35: {  	v4 =	vperm.xlane v3, v0;
	_ =	sdelay $0x1  }
0x36: {  	v4 =	vadd.s32 v1, v4;
	_ =	sdelay $0x1  }
0x37: {  	v3 =	vperm.xlane v3, v2;
	_ =	sdelay $0x1  }
0x38: {  	s17 =	simm.s32 $0x2200;
	v3 =	vadd.s32 v1, v3  }
0x39: {  	[tilespmem:s17], [sflag:$0x1] =	stream.indirect_vreg.gather [hbm4b:s3+s5], $0x80, v4, vm0, $0xb8;
	[tilespmem:$0x16200] =	vst v63  }
0x3a: {  	s18 =	simm.s32 $0x2A00  }
0x3b: {  	[tilespmem:s18], [sflag:$0x1] =	stream.indirect_vreg.gather [hbm4b:s11+s5], $0x80, v4, vm0, $0xb8;
	[tilespmem:$0x16200] =	vst v63  }
0x3c: {  	s19 =	simm.s32 $0x3200  }
0x3d: {  	[tilespmem:s19], [sflag:$0x1] =	stream.indirect_vreg.gather [hbm4b:s3+s5], $0x80, v3, vm0, $0xb8;
	[tilespmem:$0x16200] =	vst v63  }
0x3e: {  	s20 =	simm.s32 $0x3A00  }
0x3f: {  	[tilespmem:s20], [sflag:$0x1] =	stream.indirect_vreg.gather [hbm4b:s11+s5], $0x80, v3, vm0, $0xb8;
	[tilespmem:$0x16200] =	vst v63  }
0x40: {  	v3 =	vld [tilespmem:$0x20];
	_ =	sdelay $0x4  }
0x41: {  	v58 =	vshll.u32 v3, $0x2  }
0x42: {  	v3 =	vand.u32 $0x7, v3;
	v4 =	vand.u32 $0xFFFFFFE0, v58  }
0x43: {  	v3 =	vor.u32 v3, v4  }
0x44: {  	v4 =	vperm.xlane v3, v0;
	_ =	sdelay $0x1  }
0x45: {  	v4 =	vadd.s32 v1, v4;
	_ =	sdelay $0x1  }
0x46: {  	v3 =	vperm.xlane v3, v2;
	_ =	sdelay $0x1  }
0x47: {  	s21 =	simm.s32 $0x4200;
	v3 =	vadd.s32 v1, v3  }
0x48: {  	[tilespmem:s21], [sflag:$0x1] =	stream.indirect_vreg.gather [hbm4b:s3+s5], $0x80, v4, vm0, $0xb8;
	[tilespmem:$0x16200] =	vst v63  }
0x49: {  	s2 =	simm.s32 $0x4A00  }
0x4a: {  	[tilespmem:s2], [sflag:$0x1] =	stream.indirect_vreg.gather [hbm4b:s11+s5], $0x80, v4, vm0, $0xb8;
	[tilespmem:$0x16200] =	vst v63  }
0x4b: {  	s9 =	simm.s32 $0x5200  }
0x4c: {  	[tilespmem:s9], [sflag:$0x1] =	stream.indirect_vreg.gather [hbm4b:s3+s5], $0x80, v3, vm0, $0xb8;
	[tilespmem:$0x16200] =	vst v63  }
0x4d: {  	s13 =	simm.s32 $0x5A00  }
0x4e: {  	[tilespmem:s13], [sflag:$0x1] =	stream.indirect_vreg.gather [hbm4b:s11+s5], $0x80, v3, vm0, $0xb8;
	[tilespmem:$0x16200] =	vst v63  }
0x4f: {  	v3 =	vld [tilespmem:$0x30];
	_ =	sdelay $0x4  }
0x50: {  	v59 =	vshll.u32 v3, $0x2  }
0x51: {  	v3 =	vand.u32 $0x7, v3;
	v4 =	vand.u32 $0xFFFFFFE0, v59  }
0x52: {  	v3 =	vor.u32 v3, v4  }
0x53: {  	v4 =	vperm.xlane v3, v0;
	_ =	sdelay $0x1  }
0x54: {  	v4 =	vadd.s32 v1, v4;
	_ =	sdelay $0x1  }
0x55: {  	v3 =	vperm.xlane v3, v2;
	_ =	sdelay $0x1  }
0x56: {  	s16 =	simm.s32 $0x6200;
	v3 =	vadd.s32 v1, v3  }
0x57: {  	[tilespmem:s16], [sflag:$0x1] =	stream.indirect_vreg.gather [hbm4b:s3+s5], $0x80, v4, vm0, $0xb8;
	[tilespmem:$0x16200] =	vst v63  }
0x58: {  	s17 =	simm.s32 $0x6A00  }
0x59: {  	[tilespmem:s17], [sflag:$0x1] =	stream.indirect_vreg.gather [hbm4b:s11+s5], $0x80, v4, vm0, $0xb8;
	[tilespmem:$0x16200] =	vst v63  }
0x5a: {  	s18 =	simm.s32 $0x7200  }
0x5b: {  	[tilespmem:s18], [sflag:$0x1] =	stream.indirect_vreg.gather [hbm4b:s3+s5], $0x80, v3, vm0, $0xb8;
	[tilespmem:$0x16200] =	vst v63  }
0x5c: {  	s19 =	simm.s32 $0x7A00  }
0x5d: {  	[tilespmem:s19], [sflag:$0x1] =	stream.indirect_vreg.gather [hbm4b:s11+s5], $0x80, v3, vm0, $0xb8;
	[tilespmem:$0x16200] =	vst v63  }
0x5e: {  	v3 =	vld [tilespmem:$0x80];
	_ =	sdelay $0x4  }
0x5f: {  	v60 =	vshll.u32 v3, $0x2  }
0x60: {  	v3 =	vand.u32 $0x7, v3;
	v4 =	vand.u32 $0xFFFFFFE0, v60  }
0x61: {  	v3 =	vor.u32 v3, v4  }
0x62: {  	v4 =	vperm.xlane v3, v0;
	_ =	sdelay $0x1  }
0x63: {  	v4 =	vadd.s32 v1, v4;
	_ =	sdelay $0x1  }
0x64: {  	v3 =	vperm.xlane v3, v2;
	_ =	sdelay $0x1  }
0x65: {  	s20 =	simm.s32 $0x8200;
	v3 =	vadd.s32 v1, v3  }
0x66: {  	[tilespmem:s20], [sflag:$0x2] =	stream.indirect_vreg.gather [hbm4b:s4+s5], $0x80, v4, vm0, $0xb8;
	[tilespmem:$0x16200] =	vst v63  }
0x67: {  	s21 =	simm.s32 $0x8A00  }
0x68: {  	[tilespmem:s21], [sflag:$0x2] =	stream.indirect_vreg.gather [hbm4b:s12+s5], $0x80, v4, vm0, $0xb8;
	[tilespmem:$0x16200] =	vst v63  }
0x69: {  	s2 =	simm.s32 $0x9200  }
0x6a: {  	[tilespmem:s2], [sflag:$0x2] =	stream.indirect_vreg.gather [hbm4b:s4+s5], $0x80, v3, vm0, $0xb8;
	[tilespmem:$0x16200] =	vst v63  }
0x6b: {  	s9 =	simm.s32 $0x9A00  }
0x6c: {  	[tilespmem:s9], [sflag:$0x2] =	stream.indirect_vreg.gather [hbm4b:s12+s5], $0x80, v3, vm0, $0xb8;
	[tilespmem:$0x16200] =	vst v63  }
0x6d: {  	v3 =	vld [tilespmem:$0x90];
	_ =	sdelay $0x4  }
0x6e: {  	v61 =	vshll.u32 v3, $0x2  }
0x6f: {  	v3 =	vand.u32 $0x7, v3;
	v4 =	vand.u32 $0xFFFFFFE0, v61  }
0x70: {  	v3 =	vor.u32 v3, v4  }
0x71: {  	v4 =	vperm.xlane v3, v0;
	_ =	sdelay $0x1  }
0x72: {  	v4 =	vadd.s32 v1, v4;
	_ =	sdelay $0x1  }
0x73: {  	v3 =	vperm.xlane v3, v2;
	_ =	sdelay $0x1  }
0x74: {  	s13 =	simm.s32 $0xA200;
	v3 =	vadd.s32 v1, v3  }
0x75: {  	[tilespmem:s13], [sflag:$0x2] =	stream.indirect_vreg.gather [hbm4b:s4+s5], $0x80, v4, vm0, $0xb8;
	[tilespmem:$0x16200] =	vst v63  }
0x76: {  	s16 =	simm.s32 $0xAA00  }
0x77: {  	[tilespmem:s16], [sflag:$0x2] =	stream.indirect_vreg.gather [hbm4b:s12+s5], $0x80, v4, vm0, $0xb8;
	[tilespmem:$0x16200] =	vst v63  }
0x78: {  	s17 =	simm.s32 $0xB200  }
0x79: {  	[tilespmem:s17], [sflag:$0x2] =	stream.indirect_vreg.gather [hbm4b:s4+s5], $0x80, v3, vm0, $0xb8;
	[tilespmem:$0x16200] =	vst v63  }
0x7a: {  	s18 =	simm.s32 $0xBA00  }
0x7b: {  	[tilespmem:s18], [sflag:$0x2] =	stream.indirect_vreg.gather [hbm4b:s12+s5], $0x80, v3, vm0, $0xb8;
	[tilespmem:$0x16200] =	vst v63  }
0x7c: {  	v3 =	vld [tilespmem:$0xA0];
	_ =	sdelay $0x4  }
0x7d: {  	v62 =	vshll.u32 v3, $0x2  }
0x7e: {  	v3 =	vand.u32 $0x7, v3;
	v4 =	vand.u32 $0xFFFFFFE0, v62  }
0x7f: {  	v3 =	vor.u32 v3, v4  }
0x80: {  	v4 =	vperm.xlane v3, v0;
	_ =	sdelay $0x1  }
0x81: {  	v4 =	vadd.s32 v1, v4;
	_ =	sdelay $0x1  }
0x82: {  	v3 =	vperm.xlane v3, v2;
	_ =	sdelay $0x1  }
0x83: {  	s19 =	simm.s32 $0xC200;
	v3 =	vadd.s32 v1, v3  }
0x84: {  	[tilespmem:s19], [sflag:$0x2] =	stream.indirect_vreg.gather [hbm4b:s4+s5], $0x80, v4, vm0, $0xb8;
	[tilespmem:$0x16200] =	vst v63  }
0x85: {  	s20 =	simm.s32 $0xCA00  }
0x86: {  	[tilespmem:s20], [sflag:$0x2] =	stream.indirect_vreg.gather [hbm4b:s12+s5], $0x80, v4, vm0, $0xb8;
	[tilespmem:$0x16200] =	vst v63  }
0x87: {  	s21 =	simm.s32 $0xD200  }
0x88: {  	[tilespmem:s21], [sflag:$0x2] =	stream.indirect_vreg.gather [hbm4b:s4+s5], $0x80, v3, vm0, $0xb8;
	[tilespmem:$0x16200] =	vst v63  }
0x89: {  	_ = 	snop  }
0x8a: {  	[tilespmem:s22], [sflag:$0x2] =	stream.indirect_vreg.gather [hbm4b:s12+s5], $0x80, v3, vm0, $0xb8;
	[tilespmem:$0x16200] =	vst v63  }
0x8b: {  	v3 =	vld [tilespmem:$0xB0];
	_ =	sdelay $0x4  }
0x8c: {  	v63 =	vshll.u32 v3, $0x2  }
0x8d: {  	v3 =	vand.u32 $0x7, v3;
	v4 =	vand.u32 $0xFFFFFFE0, v63  }
0x8e: {  	v3 =	vor.u32 v3, v4  }
0x8f: {  	v4 =	vperm.xlane v3, v0;
	_ =	sdelay $0x1  }
0x90: {  	v4 =	vadd.s32 v1, v4;
	_ =	sdelay $0x1  }
0x91: {  	v3 =	vperm.xlane v3, v2;
	_ =	sdelay $0x1  }
0x92: {  	v3 =	vadd.s32 v1, v3  }
0x93: {  	[tilespmem:s23], [sflag:$0x2] =	stream.indirect_vreg.gather [hbm4b:s4+s5], $0x80, v4, vm0, $0xb8;
	[tilespmem:$0x16200] =	vst v63  }
0x94: {  	_ = 	snop  }
0x95: {  	[tilespmem:s24], [sflag:$0x2] =	stream.indirect_vreg.gather [hbm4b:s12+s5], $0x80, v4, vm0, $0xb8;
	[tilespmem:$0x16200] =	vst v63  }
0x96: {  	_ = 	snop  }
0x97: {  	[tilespmem:s25], [sflag:$0x2] =	stream.indirect_vreg.gather [hbm4b:s4+s5], $0x80, v3, vm0, $0xb8;
	[tilespmem:$0x16200] =	vst v63  }
0x98: {  	_ = 	snop  }
0x99: {  	[tilespmem:s26], [sflag:$0x2] =	stream.indirect_vreg.gather [hbm4b:s12+s5], $0x80, v3, vm0, $0xb8;
	[tilespmem:$0x16200] =	vst v63  }
0x9a: {  	_ =	swait.ge [sflag:s28], $0x8000  }
0x9b: {  	[sflag:s28] =	ssyncset.done $0x0  }
0x9c: {  	[sflag:s28] =	ssyncadd.s32 $0xFFFF8000  }
0x9d: {  	_ =	swait.ge [sflag:s29], $0x8000  }
0x9e: {  	[sflag:s29] =	ssyncset.done $0x0  }
0x9f: {  	s9 =	simm.s32 $0x0;
	[sflag:s29] =	ssyncadd.s32 $0xFFFF8000  }
.LBB2_3:
0xa0: {  	s1 =	sshrl.u32 s9, $0x3;
	v3 =	vld.msk [tilespmem:s14+$0x0], $0x1  }
0xa1: {  	s2 =	sand.u32 $0x380, s5;
	s13 =	sshll.u32 s1, $0xC  }
0xa2: {  	s13 =	sor.u32 s2, s13  }
0xa3: {  	v4 =	vld [tilespmem:s13+$0xE00]  }
0xa4: {  	v5 =	vld [tilespmem:s13+$0x8E00]  }
0xa5: {  	(v2sf) =	vpush v3, $0x0;
	_ =	sdelay $0x2  }
0xa6: {  	v3 =	vld [tilespmem:$0x180];
	(v2sf) =	vpush v4, $0x0  }
0xa7: {  	(v2sf) =	vpush v5, $0x0;
	_ =	sdelay $0x1  }
0xa8: {  	(v2sf) =	vpush v4, $0x1  }
0xa9: {  	(v2sf) =	vpush v5, $0x1  }
0xaa: {  	(v2sf) =	vpush v3, $0x0  }
0xab: {  	(v2sf) =	vpush v3, $0x1;
	_ =	sdelay $0x5  }
0xac: {  	s16 =	spop (v2sf)  }
0xad: {  	s17 =	sand.u32 $0x1, s16;
	s18 =	sshrl.u32 s16, $0x1  }
0xae: {  	s17 =	scvt.s32.f32 s17;
	s18 =	sand.u32 $0x1, s18  }
0xaf: {  	s19 =	spop (v2sf);
	s18 =	scvt.s32.f32 s18  }
0xb0: {  	s20 =	spop (v2sf);
	s19 =	smul.f32 s17, s19  }
0xb1: {  	s20 =	smul.f32 s18, s20  }
0xb2: {  	s21 =	spop (v2sf)  }
0xb3: {  	s19 =	sadd.f32 s20, s19;
	s20 =	spop (v2sf)  }
0xb4: {  	s16 =	sand.u32 $0x4, s16;
	s20 =	sadd.f32 s20, s21;
	s21 =	spop (v2sf)  }
0xb5: {  	p0 =	seq.s32 s16, $0x0;
	s16 =	spop (v2sf)  }
0xb6: {  	s21 =	smov.u32 @p0 s16;
	s19 =	smov.u32 @p0 s20  }
0xb7: {  	s16 =	sadd.f32 s19, s21;
	_ =	sdelay $0x1  }
0xb8: {  	v3 =	vmov s16  }
0xb9: {  	v3 =	vsub.f32 $0.0e+00, v3;
	_ =	sdelay $0x1  }
0xba: {  	v3 =	vmul.f32 $1.442695020e+00, v3;
	_ =	sdelay $0x1  }
0xbb: {  	v3 =	vbroadcast v3, $0x0;
	_ =	sdelay $0x1  }
0xbc: {  	(erf) = vpow2.f32 v3;
	_ =	sdelay $0x8  }
0xbd: {  	v3 =	vpop (erf)  }
0xbe: {  	v3 =	vadd.f32 $1.000000000e+00, v3;
	_ =	sdelay $0x1  }
0xbf: {  	(erf) = vrcp.f32 v3;
	_ =	sdelay $0x7  }
0xc0: {  	v39 =	vld [tilespmem:s13+$0x200]  }
0xc1: {  	v6 =	vld [tilespmem:s13+$0x8200];
	v3 =	vpop (erf)  }
0xc2: {  	v40 =	vsub.f32 $1.000000000e+00, v3;
	_ =	sdelay $0x1  }
0xc3: {  	v3 =	vmul.f32 s17, v3;
	v4 =	vmul.f32 s18, v40;
	_ =	sdelay $0x1  }
0xc4: {  	s1 =	smul.u32 $0x3000, s1;
	v5 =	vmul.f32 v3, v39;
	v6 =	vmul.f32 v4, v6;
	_ =	sdelay $0x1  }
0xc5: {  	s1 =	sshra.s32 s1, $0x2;
	v5 =	vadd.f32 v6, v5  }
0xc6: {  	s1 =	sor.u32 s2, s1  }
0xc7: {  	[tilespmem:s1+$0x10200] =	vst v5  }
0xc8: {  	v5 =	vld [tilespmem:s13+$0x210]  }
0xc9: {  	v41 =	vld [tilespmem:s13+$0x8210];
	_ =	sdelay $0x4  }
0xca: {  	v5 =	vmul.f32 v3, v5;
	v6 =	vmul.f32 v4, v41;
	_ =	sdelay $0x1  }
0xcb: {  	v5 =	vadd.f32 v6, v5  }
0xcc: {  	s2 =	sadd.s32 $0x10200, s1  }
0xcd: {  	[tilespmem:s2+$0x10] =	vst v5  }
0xce: {  	v5 =	vld [tilespmem:s13+$0x220]  }
0xcf: {  	v42 =	vld [tilespmem:s13+$0x8220];
	_ =	sdelay $0x4  }
0xd0: {  	v5 =	vmul.f32 v3, v5;
	v6 =	vmul.f32 v4, v42;
	_ =	sdelay $0x1  }
0xd1: {  	v5 =	vadd.f32 v6, v5;
	_ =	sdelay $0x1  }
0xd2: {  	[tilespmem:s2+$0x20] =	vst v5  }
0xd3: {  	v5 =	vld [tilespmem:s13+$0x230]  }
0xd4: {  	v43 =	vld [tilespmem:s13+$0x8230];
	_ =	sdelay $0x4  }
0xd5: {  	v5 =	vmul.f32 v3, v5;
	v6 =	vmul.f32 v4, v43;
	_ =	sdelay $0x1  }
0xd6: {  	v5 =	vadd.f32 v6, v5;
	_ =	sdelay $0x1  }
0xd7: {  	[tilespmem:s2+$0x30] =	vst v5  }
0xd8: {  	v5 =	vld [tilespmem:s13+$0x240]  }
0xd9: {  	v44 =	vld [tilespmem:s13+$0x8240];
	_ =	sdelay $0x4  }
0xda: {  	v5 =	vmul.f32 v3, v5;
	v6 =	vmul.f32 v4, v44;
	_ =	sdelay $0x1  }
0xdb: {  	v5 =	vadd.f32 v6, v5;
	_ =	sdelay $0x1  }
0xdc: {  	[tilespmem:s2+$0x40] =	vst v5  }
0xdd: {  	v5 =	vld [tilespmem:s13+$0x250]  }
0xde: {  	v45 =	vld [tilespmem:s13+$0x8250];
	_ =	sdelay $0x4  }
0xdf: {  	v5 =	vmul.f32 v5, v3;
	v6 =	vmul.f32 v45, v4;
	_ =	sdelay $0x1  }
0xe0: {  	v5 =	vadd.f32 v6, v5;
	_ =	sdelay $0x1  }
0xe1: {  	[tilespmem:s2+$0x50] =	vst v5  }
0xe2: {  	v5 =	vld [tilespmem:s13+$0x260]  }
0xe3: {  	v46 =	vld [tilespmem:s13+$0x8260];
	_ =	sdelay $0x4  }
0xe4: {  	v5 =	vmul.f32 v5, v3;
	v6 =	vmul.f32 v46, v4;
	_ =	sdelay $0x1  }
0xe5: {  	v5 =	vadd.f32 v6, v5;
	_ =	sdelay $0x1  }
0xe6: {  	[tilespmem:s2+$0x60] =	vst v5  }
0xe7: {  	v5 =	vld [tilespmem:s13+$0x270]  }
0xe8: {  	v47 =	vld [tilespmem:s13+$0x8270];
	_ =	sdelay $0x4  }
0xe9: {  	v5 =	vmul.f32 v5, v3;
	v6 =	vmul.f32 v47, v4;
	_ =	sdelay $0x1  }
0xea: {  	v5 =	vadd.f32 v6, v5;
	_ =	sdelay $0x1  }
0xeb: {  	[tilespmem:s2+$0x70] =	vst v5  }
0xec: {  	v5 =	vld [tilespmem:s13+$0x600]  }
0xed: {  	v48 =	vld [tilespmem:s13+$0x8600];
	_ =	sdelay $0x4  }
0xee: {  	v5 =	vmul.f32 v5, v3;
	v6 =	vmul.f32 v48, v4;
	_ =	sdelay $0x1  }
0xef: {  	v5 =	vadd.f32 v6, v5;
	_ =	sdelay $0x1  }
0xf0: {  	[tilespmem:s1+$0x10600] =	vst v5  }
0xf1: {  	v5 =	vld [tilespmem:s13+$0x610]  }
0xf2: {  	v49 =	vld [tilespmem:s13+$0x8610];
	_ =	sdelay $0x4  }
0xf3: {  	v5 =	vmul.f32 v5, v3;
	v6 =	vmul.f32 v49, v4;
	_ =	sdelay $0x1  }
0xf4: {  	v5 =	vadd.f32 v6, v5  }
0xf5: {  	s21 =	sadd.s32 $0x10600, s1  }
0xf6: {  	[tilespmem:s21+$0x10] =	vst v5  }
0xf7: {  	v5 =	vld [tilespmem:s13+$0x620]  }
0xf8: {  	v50 =	vld [tilespmem:s13+$0x8620];
	_ =	sdelay $0x4  }
0xf9: {  	v5 =	vmul.f32 v5, v3;
	v6 =	vmul.f32 v50, v4;
	_ =	sdelay $0x1  }
0xfa: {  	v5 =	vadd.f32 v6, v5;
	_ =	sdelay $0x1  }
0xfb: {  	[tilespmem:s21+$0x20] =	vst v5  }
0xfc: {  	v5 =	vld [tilespmem:s13+$0x630]  }
0xfd: {  	v51 =	vld [tilespmem:s13+$0x8630];
	_ =	sdelay $0x4  }
0xfe: {  	v5 =	vmul.f32 v5, v3;
	v6 =	vmul.f32 v51, v4;
	_ =	sdelay $0x1  }
0xff: {  	v5 =	vadd.f32 v6, v5;
	_ =	sdelay $0x1  }
0x100: {  	[tilespmem:s21+$0x30] =	vst v5  }
0x101: {  	v5 =	vld [tilespmem:s13+$0x640]  }
0x102: {  	v52 =	vld [tilespmem:s13+$0x8640];
	_ =	sdelay $0x4  }
0x103: {  	v5 =	vmul.f32 v5, v3;
	v6 =	vmul.f32 v52, v4;
	_ =	sdelay $0x1  }
0x104: {  	v5 =	vadd.f32 v6, v5;
	_ =	sdelay $0x1  }
0x105: {  	[tilespmem:s21+$0x40] =	vst v5  }
0x106: {  	v5 =	vld [tilespmem:s13+$0x650]  }
0x107: {  	v53 =	vld [tilespmem:s13+$0x8650];
	_ =	sdelay $0x4  }
0x108: {  	v5 =	vmul.f32 v5, v3;
	v6 =	vmul.f32 v53, v4;
	_ =	sdelay $0x1  }
0x109: {  	v5 =	vadd.f32 v6, v5;
	_ =	sdelay $0x1  }
0x10a: {  	[tilespmem:s21+$0x50] =	vst v5  }
0x10b: {  	v5 =	vld [tilespmem:s13+$0x660]  }
0x10c: {  	v54 =	vld [tilespmem:s13+$0x8660];
	_ =	sdelay $0x4  }
0x10d: {  	v5 =	vmul.f32 v5, v3;
	v6 =	vmul.f32 v54, v4;
	_ =	sdelay $0x1  }
0x10e: {  	v5 =	vadd.f32 v6, v5;
	_ =	sdelay $0x1  }
0x10f: {  	[tilespmem:s21+$0x60] =	vst v5  }
0x110: {  	v5 =	vld [tilespmem:s13+$0x670]  }
0x111: {  	v55 =	vld [tilespmem:s13+$0x8670];
	_ =	sdelay $0x4  }
0x112: {  	v5 =	vmul.f32 v5, v3;
	v6 =	vmul.f32 v55, v4;
	_ =	sdelay $0x1  }
0x113: {  	v5 =	vadd.f32 v6, v5;
	_ =	sdelay $0x1  }
0x114: {  	[tilespmem:s21+$0x70] =	vst v5  }
0x115: {  	v5 =	vld [tilespmem:s13+$0xA00]  }
0x116: {  	v56 =	vld [tilespmem:s13+$0x8A00];
	_ =	sdelay $0x4  }
0x117: {  	v5 =	vmul.f32 v5, v3;
	v6 =	vmul.f32 v56, v4;
	_ =	sdelay $0x1  }
0x118: {  	v5 =	vadd.f32 v6, v5;
	_ =	sdelay $0x1  }
0x119: {  	[tilespmem:s1+$0x10A00] =	vst v5  }
0x11a: {  	v5 =	vld [tilespmem:s13+$0xA10]  }
0x11b: {  	v57 =	vld [tilespmem:s13+$0x8A10];
	_ =	sdelay $0x4  }
0x11c: {  	v5 =	vmul.f32 v5, v3;
	v6 =	vmul.f32 v57, v4;
	_ =	sdelay $0x1  }
0x11d: {  	v5 =	vadd.f32 v6, v5  }
0x11e: {  	s1 =	sadd.s32 $0x10A00, s1  }
0x11f: {  	[tilespmem:s1+$0x10] =	vst v5  }
0x120: {  	v5 =	vld [tilespmem:s13+$0xA20]  }
0x121: {  	v58 =	vld [tilespmem:s13+$0x8A20];
	_ =	sdelay $0x4  }
0x122: {  	v5 =	vmul.f32 v5, v3;
	v6 =	vmul.f32 v58, v4;
	_ =	sdelay $0x1  }
0x123: {  	v5 =	vadd.f32 v6, v5;
	_ =	sdelay $0x1  }
0x124: {  	[tilespmem:s1+$0x20] =	vst v5  }
0x125: {  	v5 =	vld [tilespmem:s13+$0xA30]  }
0x126: {  	v59 =	vld [tilespmem:s13+$0x8A30];
	_ =	sdelay $0x4  }
0x127: {  	v5 =	vmul.f32 v5, v3;
	v6 =	vmul.f32 v59, v4;
	_ =	sdelay $0x1  }
0x128: {  	v5 =	vadd.f32 v6, v5;
	_ =	sdelay $0x1  }
0x129: {  	[tilespmem:s1+$0x30] =	vst v5  }
0x12a: {  	v5 =	vld [tilespmem:s13+$0xA40]  }
0x12b: {  	v60 =	vld [tilespmem:s13+$0x8A40];
	_ =	sdelay $0x4  }
0x12c: {  	v5 =	vmul.f32 v5, v3;
	v6 =	vmul.f32 v60, v4;
	_ =	sdelay $0x1  }
0x12d: {  	v5 =	vadd.f32 v6, v5;
	_ =	sdelay $0x1  }
0x12e: {  	[tilespmem:s1+$0x40] =	vst v5  }
0x12f: {  	v5 =	vld [tilespmem:s13+$0xA50]  }
0x130: {  	v61 =	vld [tilespmem:s13+$0x8A50];
	_ =	sdelay $0x4  }
0x131: {  	v5 =	vmul.f32 v5, v3;
	v6 =	vmul.f32 v61, v4;
	_ =	sdelay $0x1  }
0x132: {  	v5 =	vadd.f32 v6, v5;
	_ =	sdelay $0x1  }
0x133: {  	[tilespmem:s1+$0x50] =	vst v5  }
0x134: {  	v5 =	vld [tilespmem:s13+$0xA60]  }
0x135: {  	v62 =	vld [tilespmem:s13+$0x8A60];
	_ =	sdelay $0x4  }
0x136: {  	v5 =	vmul.f32 v5, v3;
	v6 =	vmul.f32 v62, v4;
	_ =	sdelay $0x1  }
0x137: {  	v5 =	vadd.f32 v6, v5;
	_ =	sdelay $0x1  }
0x138: {  	[tilespmem:s1+$0x60] =	vst v5  }
0x139: {  	v5 =	vld [tilespmem:s13+$0xA70]  }
0x13a: {  	v63 =	vld [tilespmem:s13+$0x8A70];
	_ =	sdelay $0x3  }
0x13b: {  	p0 =	sne.s32 s9, $0x3F  }
.Ltmp0:
0x13c: {  	v3 =	vmul.f32 v5, v3;
	v4 =	vmul.f32 v63, v4;
	(pc) =	sbr.rel @p0 .LBB2_3-.Ltmp0, $3  }
0x13d: {  	_ = 	snop  }
0x13e: {  	v3 =	vadd.f32 v4, v3;
	_ =	sdelay $0x1  }
0x13f: {  	s14 =	sadd.s32 $0x1, s14;
	s5 =	sadd.s32 $0x80, s5;
	s9 =	sadd.s32 $0x1, s9;
	[tilespmem:s1+$0x70] =	vst v3  }
0x140: {  	s0 =	smul.u32 $0x180, s0;
	s31 =	sadd.s32 $0x1, s31  }
0x141: {  	s1 =	rddreg [dreg:$0x1];
	p0 =	sne.s32 s31, $0x8  }
.Ltmp1:
0x142: {  	s21 =	simm.s32 $0x0;
	s0 =	sadd.s32 s1, s0;
	(pc) =	sbr.rel @p0 .LBB2_2-.Ltmp1, $4  }
0x143: {  	[hbm4b:s0+s21] =	stream.linear.scatter [tilespmem:s30], [sflag:$0x3], $0x6000, $0x38;
	[tilespmem:$0x16200] =	vst v63  }
0x144: {  	_ =	swait.ge [sflag:s15], $0x6000  }
0x145: {  	[sflag:s15] =	ssyncset.done $0x0  }
0x146: {  	[sflag:s15] =	ssyncadd.s32 $0xFFFFA000  }
0x147: {  	s1 =	rddreg [dreg:$0x5]  }
0x148: {  	s0 =	rddreg [dreg:$0x4];
	s1 =	sadd.s32 $0x1, s1  }
0x149: {  	p0 =	sne.s32 s1, s0  }
.Ltmp2:
0x14a: {  	_ = 	snop;
	(pc) =	sbr.rel @p0 .LBB2_1-.Ltmp2, $1  }
0x14b: {  	_ =	sdelay $0x3  }
0x14c: {  	_ =	sfence.sel $0x180000  }
0x14d: {  	[bflag:$0x0] =	sbarrier.arrive $0xFFFF  }
0x14e: {  	_ =	strace $0x90000047  }
0x14f: {  	s0 =	stileid.u32;
	[bflag:$0x2] =	sbarrier.arrive $0xFFFF  }
0x150: {  	p0 =	sne.s32 s0, $0x0;
	s0 =	rddreg [dreg:$0x2]  }
0x151: {  	s0 =	sadd.s32 @!p0 $0x100000, s0  }
0x152: {  	[sflag:s0] =	ssyncadd.tile.s32 @!p0 $0x1;
	_ =	shalt  }
.Lfunc_end2:
_tile_overlayer_lowered:
.L_overlay_start_2:
0x153: {  	(tag) =	ssettag $0x2  }
0x154: {  	s0 =	rddreg [dreg:$0x0];
	s2 =	stileid.u32  }
0x155: {  	s1 =	rddreg [dreg:$0x1];
	p0 =	sne.s32 s2, $0x0  }
0x156: {  	s3 =	rddreg [dreg:$0x2];
	[bflag:$0x3] =	sbarrier.arrive $0xFFFF;
	s2 =	simm.s32 @!p0 $0x1C03  }
0x157: {  	[timem:s3], [sflag:s2] =	dma.local @!p0 [hbm:s0], s1  }
0x158: {  	s0 =	simm.s32 @!p0 $0x3  }
0x159: {  	_ =	swait.ge @!p0 [sflag:s0], s1  }
0x15a: {  	s1 =	ssub.s32 @!p0 $0x0, s1;
	[sflag:s0] =	ssyncset.done @!p0 $0x0  }
0x15b: {  	[sflag:s0] =	ssyncadd.s32 @!p0 s1  }
0x15c: {  	[bflag:$0x3] =	sbarrier.arrive $0xFFFF  }
0x15d: {  	_ =	shalt  }

</sc_bundles>
